<compile_context>
chip_gen: v7x
topology: tpu7x:2x2x1
jax: 0.10.2.dev20260603
libtpu: 0.0.44.dev20260713+nightly
codegen_flags: <defaults>
</compile_context>

<pallas_src>
import functools

import jax
import jax.numpy as jnp
from jax import lax
from jax.experimental import pallas as pl
from jax.experimental.pallas import tpu as pltpu
from jax.experimental.pallas import tpu_sc as plsc

NC = 2
NS = 16
NW = NC * NS

V = 1_000_000
D = 64
NB = 16384
NA = 26
NQ = V // 2

FULL_T = V // 128
TAIL_ROWS = V - FULL_T * 128
K1_ITERS = (FULL_T + NW - 1) // NW

OUT_BLOCKS = NA * NB // 128
K2_ITERS = OUT_BLOCKS // NW

NBUF = 2

_mesh = plsc.VectorSubcoreMesh(
    core_axis_name="c", subcore_axis_name="s", num_cores=NC, num_subcores=NS
)


def _wid():
    return lax.axis_index("s") * NC + lax.axis_index("c")


_VM = pltpu.VMEM
_SEM = pltpu.SemaphoreType.DMA


@functools.partial(
    pl.kernel,
    out_type=jax.ShapeDtypeStruct((NA, D, NB), jnp.float32),
    mesh=_mesh,
    scratch_types=(
        [_VM((128,), jnp.int32)] * NBUF
        + [_VM((128,), jnp.int32)] * NBUF
        + [_VM((128, 129), jnp.float32)] * NBUF
        + [_VM((64, 128), jnp.float32)] * NBUF
        + [_SEM] * (3 * NBUF)
    ),
    compiler_params=pltpu.CompilerParams(needs_layout_passes=False),
)
def _gather_kernel(iT_hbm, s_hbm, out_hbm, *refs):
    idxbs = refs[0:NBUF]
    qbs = refs[NBUF:2 * NBUF]
    g2ds = refs[2 * NBUF:3 * NBUF]
    obs = refs[3 * NBUF:4 * NBUF]
    isems = refs[4 * NBUF:5 * NBUF]
    gsems = refs[5 * NBUF:6 * NBUF]
    osems = refs[6 * NBUF:7 * NBUF]
    w = _wid()
    iota = lax.iota(jnp.int32, 16)
    rowvecs = [g * 16 + iota for g in range(8)]

    def blk_addr(kb):
        blk = kb * NW + w
        return blk // 128, (blk % 128) * 128

    def issue_idx(kb, p):
        @pl.when(kb < K2_ITERS)
        def _():
            a, b0 = blk_addr(kb)
            pltpu.async_copy(iT_hbm.at[a, pl.ds(b0, 128)], idxbs[p], isems[p])

    def launch_gather(kb, p):
        @pl.when(kb < K2_ITERS)
        def _():
            pltpu.make_async_copy(
                iT_hbm.at[0, pl.ds(0, 128)], idxbs[p], isems[p]
            ).wait()
            for g in range(8):
                qbs[p][pl.ds(g * 16, 16)] = jnp.right_shift(
                    idxbs[p][pl.ds(g * 16, 16)], 1
                )
            pltpu.async_copy(s_hbm.at[qbs[p]], g2ds[p].at[:, :128], gsems[p])

    def step(kb, p):
        a, b0 = blk_addr(kb)
        pltpu.make_async_copy(
            s_hbm.at[qbs[p]], g2ds[p].at[:, :128], gsems[p]
        ).wait()
        launch_gather(kb + NBUF - 1, (p + NBUF - 1) % NBUF)

        g2d, ob, idxb = g2ds[p], obs[p], idxbs[p]
        hoffs = [
            jnp.left_shift(jnp.bitwise_and(idxb[pl.ds(g * 16, 16)], 1), 6)
            for g in range(8)
        ]

        @pl.when(kb >= NBUF)
        def _w():
            pltpu.make_async_copy(
                obs[p], out_hbm.at[0, :, pl.ds(0, 128)], osems[p]
            ).wait()

        @plsc.parallel_loop(0, 64, unroll=2)
        def _sh(c):
            for g in range(8):
                ob[c, pl.ds(g * 16, 16)] = plsc.load_gather(
                    g2d, [rowvecs[g], hoffs[g] + c]
                )
        pltpu.async_copy(ob, out_hbm.at[a, :, pl.ds(b0, 128)], osems[p])
        issue_idx(kb + NBUF, p)

    for d in range(NBUF):
        issue_idx(d, d)
    for d in range(NBUF - 1):
        launch_gather(d, d)

    def body(j, carry):
        for p in range(NBUF):
            step(NBUF * j + p, p)
        return carry

    lax.fori_loop(0, K2_ITERS // NBUF, body, 0)

    for p in range(NBUF):
        pltpu.make_async_copy(
            obs[p], out_hbm.at[0, :, pl.ds(0, 128)], osems[p]
        ).wait()


def kernel(i, types):
    s = jnp.reshape(types, (NQ, 128))
    o3 = _gather_kernel(i.T, s)
    return o3.transpose(2, 0, 1)

# --- scband reference (transcript-rebuilt; emitter-appended) ---
"""Pipeline reference for scband-type-params-936302870764 (READ-ONLY COPY).

The authoritative reference and input builder live on the scoring server;
editing this copy changes nothing except your own understanding.
"""

import jax, jax.numpy as jnp
import numpy as np

NUM = 1000000
SIZE = 64

def setup_inputs(seed: int = 0) -> dict:
    key = jax.random.key(seed)
    k_i, k_t = jax.random.split(key)
    i = jax.random.randint(k_i, (16384, 26), 0, NUM, dtype=jnp.int64)
    # linen.initializers.uniform() -> uniform in [0, 0.01)
    types = jax.random.uniform(k_t, (NUM, SIZE), dtype=jnp.float32) * 0.01
    return {"i": i, "types": types}

def reference(i, types):
    # type_params.__call__: return self.types[i]
    return jnp.take(types, i, axis=0)

if __name__ == "__main__":
    import jax
    _d = setup_inputs()
    print(jax.jit(kernel)(*tuple(_d.values())))

</pallas_src>

<mosaic_0001>
#map = affine_map<(d0, d1) -> (0, 0)>
#map1 = affine_map<(d0, d1) -> (0, 0, 0)>
module attributes {stable_mosaic.version = 14 : i64} {
  func.func @_gather_kernel(%arg0: i32, %arg1: i32, %arg2: memref<26x16384xi32, #tpu.memory_space<hbm>>, %arg3: memref<500000x128xf32, #tpu.memory_space<hbm>>, %arg4: memref<26x64x16384xf32, #tpu.memory_space<hbm>>, %arg5: memref<128xi32, #tpu.memory_space<vmem>>, %arg6: memref<128xi32, #tpu.memory_space<vmem>>, %arg7: memref<128xi32, #tpu.memory_space<vmem>>, %arg8: memref<128xi32, #tpu.memory_space<vmem>>, %arg9: memref<128x129xf32, #tpu.memory_space<vmem>>, %arg10: memref<128x129xf32, #tpu.memory_space<vmem>>, %arg11: memref<64x128xf32, #tpu.memory_space<vmem>>, %arg12: memref<64x128xf32, #tpu.memory_space<vmem>>, %arg13: memref<!tpu.dma_semaphore, #tpu.memory_space<semaphore_mem>>, %arg14: memref<!tpu.dma_semaphore, #tpu.memory_space<semaphore_mem>>, %arg15: memref<!tpu.dma_semaphore, #tpu.memory_space<semaphore_mem>>, %arg16: memref<!tpu.dma_semaphore, #tpu.memory_space<semaphore_mem>>, %arg17: memref<!tpu.dma_semaphore, #tpu.memory_space<semaphore_mem>>, %arg18: memref<!tpu.dma_semaphore, #tpu.memory_space<semaphore_mem>>) attributes {dimension_semantics = [#tpu.dimension_semantics<core_parallel>, #tpu.dimension_semantics<subcore_parallel>], iteration_bounds = array<i64: 2, 16>, scalar_prefetch = 0 : i64, scratch_operands = 14 : i64, tpu.core_type = #tpu.core_type<sc_vector_subcore>, window_params = [{transform_indices = #map}, {transform_indices = #map}, {transform_indices = #map1}]} {
    %mul3A = arith.constant 2 : i32
    %mul3A_0 = arith.muli %arg1, %mul3A : i32
    %add3A = arith.addi %mul3A_0, %arg0 : i32
    %iota3A = tpu.iota {dimensions = array<i32: 0>} : vector<16xi32>
    %add3A_1 = arith.constant 0 : i32
    %add3A_2 = vector.broadcast %add3A_1 : i32 to vector<16xi32>
    %add3A_3 = arith.addi %add3A_2, %iota3A : vector<16xi32>
    %add3A_4 = arith.constant 16 : i32
    %add3A_5 = vector.broadcast %add3A_4 : i32 to vector<16xi32>
    %add3A_6 = arith.addi %add3A_5, %iota3A : vector<16xi32>
    %add3A_7 = arith.constant 32 : i32
    %add3A_8 = vector.broadcast %add3A_7 : i32 to vector<16xi32>
    %add3A_9 = arith.addi %add3A_8, %iota3A : vector<16xi32>
    %add3A_10 = arith.constant 48 : i32
    %add3A_11 = vector.broadcast %add3A_10 : i32 to vector<16xi32>
    %add3A_12 = arith.addi %add3A_11, %iota3A : vector<16xi32>
    %add3A_13 = arith.constant 64 : i32
    %add3A_14 = vector.broadcast %add3A_13 : i32 to vector<16xi32>
    %add3A_15 = arith.addi %add3A_14, %iota3A : vector<16xi32>
    %add3A_16 = arith.constant 80 : i32
    %add3A_17 = vector.broadcast %add3A_16 : i32 to vector<16xi32>
    %add3A_18 = arith.addi %add3A_17, %iota3A : vector<16xi32>
    %add3A_19 = arith.constant 96 : i32
    %add3A_20 = vector.broadcast %add3A_19 : i32 to vector<16xi32>
    %add3A_21 = arith.addi %add3A_20, %iota3A : vector<16xi32>
    %add3A_22 = arith.constant 112 : i32
    %add3A_23 = vector.broadcast %add3A_22 : i32 to vector<16xi32>
    %add3A_24 = arith.addi %add3A_23, %iota3A : vector<16xi32>
    %add3A_25 = arith.constant 0 : i32
    %add3A_26 = arith.addi %add3A_25, %add3A : i32
    %jit3A = arith.constant 128 : i32
    %div3A = arith.divsi %add3A_26, %jit3A : i32
    %sign3A = arith.constant 0 : i32
    %sign3A_27 = arith.cmpi sgt, %add3A_26, %sign3A : i32
    %sign3A_28 = arith.extui %sign3A_27 : i1 to i32
    %sign3A_29 = arith.constant 0 : i32
    %sign3A_30 = arith.cmpi slt, %add3A_26, %sign3A_29 : i32
    %sign3A_31 = arith.extui %sign3A_30 : i1 to i32
    %sign3A_32 = arith.subi %sign3A_28, %sign3A_31 : i32
    %sign3A_33 = arith.constant 0 : i32
    %sign3A_34 = arith.cmpi sgt, %jit3A, %sign3A_33 : i32
    %sign3A_35 = arith.extui %sign3A_34 : i1 to i32
    %sign3A_36 = arith.constant 0 : i32
    %sign3A_37 = arith.cmpi slt, %jit3A, %sign3A_36 : i32
    %sign3A_38 = arith.extui %sign3A_37 : i1 to i32
    %sign3A_39 = arith.subi %sign3A_35, %sign3A_38 : i32
    %ne3A = arith.cmpi ne, %sign3A_32, %sign3A_39 : i32
    %rem3A = arith.remsi %add3A_26, %jit3A : i32
    %ne3A_40 = arith.constant 0 : i32
    %ne3A_41 = arith.cmpi ne, %rem3A, %ne3A_40 : i32
    %and3A = arith.andi %ne3A, %ne3A_41 : i1
    %sub3A = arith.constant 1 : i32
    %sub3A_42 = arith.subi %div3A, %sub3A : i32
    %select_n3A = arith.select %and3A, %sub3A_42, %div3A : i32
    %jit3A_43 = arith.constant 128 : i32
    %eq3A = arith.constant 0 : i32
    %eq3A_44 = arith.cmpi eq, %jit3A_43, %eq3A : i32
    %jit3A_45 = arith.constant 1 : i32
    %select_n3A_46 = arith.select %eq3A_44, %jit3A_45, %jit3A_43 : i32
    %rem3A_47 = arith.remsi %add3A_26, %select_n3A_46 : i32
    %ne3A_48 = arith.constant 0 : i32
    %ne3A_49 = arith.cmpi ne, %rem3A_47, %ne3A_48 : i32
    %lt3A = arith.constant 0 : i32
    %lt3A_50 = arith.cmpi slt, %rem3A_47, %lt3A : i32
    %lt3A_51 = arith.constant 0 : i32
    %lt3A_52 = arith.cmpi slt, %select_n3A_46, %lt3A_51 : i32
    %ne3A_53 = arith.xori %lt3A_50, %lt3A_52 : i1
    %and3A_54 = arith.andi %ne3A_53, %ne3A_49 : i1
    %add3A_55 = arith.addi %rem3A_47, %select_n3A_46 : i32
    %select_n3A_56 = arith.select %and3A_54, %add3A_55, %rem3A_47 : i32
    %mul3A_57 = arith.constant 128 : i32
    %mul3A_58 = arith.muli %select_n3A_56, %mul3A_57 : i32
    %dma_start3A = tpu.memref_slice %arg2[%select_n3A, %mul3A_58] : memref<26x16384xi32, #tpu.memory_space<hbm>> -> memref<1x128xi32, #tpu.memory_space<hbm>>
    %dma_start3A_59 = tpu.memref_squeeze %dma_start3A : memref<1x128xi32, #tpu.memory_space<hbm>> -> memref<128xi32, #tpu.memory_space<hbm>>
    %dma_start3A_60 = tpu.memref_slice %arg2[%select_n3A, %mul3A_58] : memref<26x16384xi32, #tpu.memory_space<hbm>> -> memref<1x128xi32, #tpu.memory_space<hbm>>
    %dma_start3A_61 = tpu.memref_squeeze %dma_start3A_60 : memref<1x128xi32, #tpu.memory_space<hbm>> -> memref<128xi32, #tpu.memory_space<hbm>>
    tpu.enqueue_dma source(%dma_start3A_61 : memref<128xi32, #tpu.memory_space<hbm>>) target(%arg5 : memref<128xi32, #tpu.memory_space<vmem>>) target_semaphore(%arg13 : memref<!tpu.dma_semaphore, #tpu.memory_space<semaphore_mem>>)
    %add3A_62 = arith.constant 32 : i32
    %add3A_63 = arith.addi %add3A_62, %add3A : i32
    %jit3A_64 = arith.constant 128 : i32
    %div3A_65 = arith.divsi %add3A_63, %jit3A_64 : i32
    %sign3A_66 = arith.constant 0 : i32
    %sign3A_67 = arith.cmpi sgt, %add3A_63, %sign3A_66 : i32
    %sign3A_68 = arith.extui %sign3A_67 : i1 to i32
    %sign3A_69 = arith.constant 0 : i32
    %sign3A_70 = arith.cmpi slt, %add3A_63, %sign3A_69 : i32
    %sign3A_71 = arith.extui %sign3A_70 : i1 to i32
    %sign3A_72 = arith.subi %sign3A_68, %sign3A_71 : i32
    %sign3A_73 = arith.constant 0 : i32
    %sign3A_74 = arith.cmpi sgt, %jit3A_64, %sign3A_73 : i32
    %sign3A_75 = arith.extui %sign3A_74 : i1 to i32
    %sign3A_76 = arith.constant 0 : i32
    %sign3A_77 = arith.cmpi slt, %jit3A_64, %sign3A_76 : i32
    %sign3A_78 = arith.extui %sign3A_77 : i1 to i32
    %sign3A_79 = arith.subi %sign3A_75, %sign3A_78 : i32
    %ne3A_80 = arith.cmpi ne, %sign3A_72, %sign3A_79 : i32
    %rem3A_81 = arith.remsi %add3A_63, %jit3A_64 : i32
    %ne3A_82 = arith.constant 0 : i32
    %ne3A_83 = arith.cmpi ne, %rem3A_81, %ne3A_82 : i32
    %and3A_84 = arith.andi %ne3A_80, %ne3A_83 : i1
    %sub3A_85 = arith.constant 1 : i32
    %sub3A_86 = arith.subi %div3A_65, %sub3A_85 : i32
    %select_n3A_87 = arith.select %and3A_84, %sub3A_86, %div3A_65 : i32
    %jit3A_88 = arith.constant 128 : i32
    %eq3A_89 = arith.constant 0 : i32
    %eq3A_90 = arith.cmpi eq, %jit3A_88, %eq3A_89 : i32
    %jit3A_91 = arith.constant 1 : i32
    %select_n3A_92 = arith.select %eq3A_90, %jit3A_91, %jit3A_88 : i32
    %rem3A_93 = arith.remsi %add3A_63, %select_n3A_92 : i32
    %ne3A_94 = arith.constant 0 : i32
    %ne3A_95 = arith.cmpi ne, %rem3A_93, %ne3A_94 : i32
    %lt3A_96 = arith.constant 0 : i32
    %lt3A_97 = arith.cmpi slt, %rem3A_93, %lt3A_96 : i32
    %lt3A_98 = arith.constant 0 : i32
    %lt3A_99 = arith.cmpi slt, %select_n3A_92, %lt3A_98 : i32
    %ne3A_100 = arith.xori %lt3A_97, %lt3A_99 : i1
    %and3A_101 = arith.andi %ne3A_100, %ne3A_95 : i1
    %add3A_102 = arith.addi %rem3A_93, %select_n3A_92 : i32
    %select_n3A_103 = arith.select %and3A_101, %add3A_102, %rem3A_93 : i32
    %mul3A_104 = arith.constant 128 : i32
    %mul3A_105 = arith.muli %select_n3A_103, %mul3A_104 : i32
    %dma_start3A_106 = tpu.memref_slice %arg2[%select_n3A_87, %mul3A_105] : memref<26x16384xi32, #tpu.memory_space<hbm>> -> memref<1x128xi32, #tpu.memory_space<hbm>>
    %dma_start3A_107 = tpu.memref_squeeze %dma_start3A_106 : memref<1x128xi32, #tpu.memory_space<hbm>> -> memref<128xi32, #tpu.memory_space<hbm>>
    %dma_start3A_108 = tpu.memref_slice %arg2[%select_n3A_87, %mul3A_105] : memref<26x16384xi32, #tpu.memory_space<hbm>> -> memref<1x128xi32, #tpu.memory_space<hbm>>
    %dma_start3A_109 = tpu.memref_squeeze %dma_start3A_108 : memref<1x128xi32, #tpu.memory_space<hbm>> -> memref<128xi32, #tpu.memory_space<hbm>>
    tpu.enqueue_dma source(%dma_start3A_109 : memref<128xi32, #tpu.memory_space<hbm>>) target(%arg6 : memref<128xi32, #tpu.memory_space<vmem>>) target_semaphore(%arg14 : memref<!tpu.dma_semaphore, #tpu.memory_space<semaphore_mem>>)
    %dma_wait3A = arith.constant 0 : i32
    %dma_wait3A_110 = arith.constant 0 : i32
    %dma_wait3A_111 = tpu.memref_slice %arg2[%dma_wait3A, %dma_wait3A_110] : memref<26x16384xi32, #tpu.memory_space<hbm>> -> memref<1x128xi32, #tpu.memory_space<hbm>>
    %dma_wait3A_112 = tpu.memref_squeeze %dma_wait3A_111 : memref<1x128xi32, #tpu.memory_space<hbm>> -> memref<128xi32, #tpu.memory_space<hbm>>
    %dma_wait3A_113 = arith.constant 0 : i32
    %dma_wait3A_114 = tpu.memref_slice %arg2[%dma_wait3A, %dma_wait3A_113] : memref<26x16384xi32, #tpu.memory_space<hbm>> -> memref<1x128xi32, #tpu.memory_space<hbm>>
    %dma_wait3A_115 = tpu.memref_squeeze %dma_wait3A_114 : memref<1x128xi32, #tpu.memory_space<hbm>> -> memref<128xi32, #tpu.memory_space<hbm>>
    tpu.wait_dma2 semaphore(%arg13 : memref<!tpu.dma_semaphore, #tpu.memory_space<semaphore_mem>>) src(%dma_wait3A_115 : memref<128xi32, #tpu.memory_space<hbm>>) dst(%arg5 : memref<128xi32, #tpu.memory_space<vmem>>)
    %get3A = arith.constant 0 : index
    %get3A_116 = tpu.vector_load %arg5[%get3A] {strides = array<i32>} : memref<128xi32, #tpu.memory_space<vmem>>, vector<16xi32>,
    %shift_right_arithmetic3A = arith.constant 1 : i32
    %shift_right_arithmetic3A_117 = vector.broadcast %shift_right_arithmetic3A : i32 to vector<16xi32>
    %shift_right_arithmetic3A_118 = arith.shrsi %get3A_116, %shift_right_arithmetic3A_117 : vector<16xi32>
    %swap3A = arith.constant 0 : index
    %swap3A_119 = tpu.vector_load %arg7[%swap3A] {strides = array<i32>} : memref<128xi32, #tpu.memory_space<vmem>>, vector<16xi32>,
    tpu.vector_store %arg7[%swap3A], %shift_right_arithmetic3A_118 {strides = array<i32>} : memref<128xi32, #tpu.memory_space<vmem>>, vector<16xi32>,
    %get3A_120 = arith.constant 16 : index
    %get3A_121 = tpu.vector_load %arg5[%get3A_120] {strides = array<i32>} : memref<128xi32, #tpu.memory_space<vmem>>, vector<16xi32>,
    %shift_right_arithmetic3A_122 = arith.constant 1 : i32
    %shift_right_arithmetic3A_123 = vector.broadcast %shift_right_arithmetic3A_122 : i32 to vector<16xi32>
    %shift_right_arithmetic3A_124 = arith.shrsi %get3A_121, %shift_right_arithmetic3A_123 : vector<16xi32>
    %swap3A_125 = arith.constant 16 : index
    %swap3A_126 = tpu.vector_load %arg7[%swap3A_125] {strides = array<i32>} : memref<128xi32, #tpu.memory_space<vmem>>, vector<16xi32>,
    tpu.vector_store %arg7[%swap3A_125], %shift_right_arithmetic3A_124 {strides = array<i32>} : memref<128xi32, #tpu.memory_space<vmem>>, vector<16xi32>,
    %get3A_127 = arith.constant 32 : index
    %get3A_128 = tpu.vector_load %arg5[%get3A_127] {strides = array<i32>} : memref<128xi32, #tpu.memory_space<vmem>>, vector<16xi32>,
    %shift_right_arithmetic3A_129 = arith.constant 1 : i32
    %shift_right_arithmetic3A_130 = vector.broadcast %shift_right_arithmetic3A_129 : i32 to vector<16xi32>
    %shift_right_arithmetic3A_131 = arith.shrsi %get3A_128, %shift_right_arithmetic3A_130 : vector<16xi32>
    %swap3A_132 = arith.constant 32 : index
    %swap3A_133 = tpu.vector_load %arg7[%swap3A_132] {strides = array<i32>} : memref<128xi32, #tpu.memory_space<vmem>>, vector<16xi32>,
    tpu.vector_store %arg7[%swap3A_132], %shift_right_arithmetic3A_131 {strides = array<i32>} : memref<128xi32, #tpu.memory_space<vmem>>, vector<16xi32>,
    %get3A_134 = arith.constant 48 : index
    %get3A_135 = tpu.vector_load %arg5[%get3A_134] {strides = array<i32>} : memref<128xi32, #tpu.memory_space<vmem>>, vector<16xi32>,
    %shift_right_arithmetic3A_136 = arith.constant 1 : i32
    %shift_right_arithmetic3A_137 = vector.broadcast %shift_right_arithmetic3A_136 : i32 to vector<16xi32>
    %shift_right_arithmetic3A_138 = arith.shrsi %get3A_135, %shift_right_arithmetic3A_137 : vector<16xi32>
    %swap3A_139 = arith.constant 48 : index
    %swap3A_140 = tpu.vector_load %arg7[%swap3A_139] {strides = array<i32>} : memref<128xi32, #tpu.memory_space<vmem>>, vector<16xi32>,
    tpu.vector_store %arg7[%swap3A_139], %shift_right_arithmetic3A_138 {strides = array<i32>} : memref<128xi32, #tpu.memory_space<vmem>>, vector<16xi32>,
    %get3A_141 = arith.constant 64 : index
    %get3A_142 = tpu.vector_load %arg5[%get3A_141] {strides = array<i32>} : memref<128xi32, #tpu.memory_space<vmem>>, vector<16xi32>,
    %shift_right_arithmetic3A_143 = arith.constant 1 : i32
    %shift_right_arithmetic3A_144 = vector.broadcast %shift_right_arithmetic3A_143 : i32 to vector<16xi32>
    %shift_right_arithmetic3A_145 = arith.shrsi %get3A_142, %shift_right_arithmetic3A_144 : vector<16xi32>
    %swap3A_146 = arith.constant 64 : index
    %swap3A_147 = tpu.vector_load %arg7[%swap3A_146] {strides = array<i32>} : memref<128xi32, #tpu.memory_space<vmem>>, vector<16xi32>,
    tpu.vector_store %arg7[%swap3A_146], %shift_right_arithmetic3A_145 {strides = array<i32>} : memref<128xi32, #tpu.memory_space<vmem>>, vector<16xi32>,
    %get3A_148 = arith.constant 80 : index
    %get3A_149 = tpu.vector_load %arg5[%get3A_148] {strides = array<i32>} : memref<128xi32, #tpu.memory_space<vmem>>, vector<16xi32>,
    %shift_right_arithmetic3A_150 = arith.constant 1 : i32
    %shift_right_arithmetic3A_151 = vector.broadcast %shift_right_arithmetic3A_150 : i32 to vector<16xi32>
    %shift_right_arithmetic3A_152 = arith.shrsi %get3A_149, %shift_right_arithmetic3A_151 : vector<16xi32>
    %swap3A_153 = arith.constant 80 : index
    %swap3A_154 = tpu.vector_load %arg7[%swap3A_153] {strides = array<i32>} : memref<128xi32, #tpu.memory_space<vmem>>, vector<16xi32>,
    tpu.vector_store %arg7[%swap3A_153], %shift_right_arithmetic3A_152 {strides = array<i32>} : memref<128xi32, #tpu.memory_space<vmem>>, vector<16xi32>,
    %get3A_155 = arith.constant 96 : index
    %get3A_156 = tpu.vector_load %arg5[%get3A_155] {strides = array<i32>} : memref<128xi32, #tpu.memory_space<vmem>>, vector<16xi32>,
    %shift_right_arithmetic3A_157 = arith.constant 1 : i32
    %shift_right_arithmetic3A_158 = vector.broadcast %shift_right_arithmetic3A_157 : i32 to vector<16xi32>
    %shift_right_arithmetic3A_159 = arith.shrsi %get3A_156, %shift_right_arithmetic3A_158 : vector<16xi32>
    %swap3A_160 = arith.constant 96 : index
    %swap3A_161 = tpu.vector_load %arg7[%swap3A_160] {strides = array<i32>} : memref<128xi32, #tpu.memory_space<vmem>>, vector<16xi32>,
    tpu.vector_store %arg7[%swap3A_160], %shift_right_arithmetic3A_159 {strides = array<i32>} : memref<128xi32, #tpu.memory_space<vmem>>, vector<16xi32>,
    %get3A_162 = arith.constant 112 : index
    %get3A_163 = tpu.vector_load %arg5[%get3A_162] {strides = array<i32>} : memref<128xi32, #tpu.memory_space<vmem>>, vector<16xi32>,
    %shift_right_arithmetic3A_164 = arith.constant 1 : i32
    %shift_right_arithmetic3A_165 = vector.broadcast %shift_right_arithmetic3A_164 : i32 to vector<16xi32>
    %shift_right_arithmetic3A_166 = arith.shrsi %get3A_163, %shift_right_arithmetic3A_165 : vector<16xi32>
    %swap3A_167 = arith.constant 112 : index
    %swap3A_168 = tpu.vector_load %arg7[%swap3A_167] {strides = array<i32>} : memref<128xi32, #tpu.memory_space<vmem>>, vector<16xi32>,
    tpu.vector_store %arg7[%swap3A_167], %shift_right_arithmetic3A_166 {strides = array<i32>} : memref<128xi32, #tpu.memory_space<vmem>>, vector<16xi32>,
    %dma_start3A_169 = arith.constant 0 : i32
    %dma_start3A_170 = arith.constant 0 : i32
    %dma_start3A_171 = tpu.memref_slice %arg9[%dma_start3A_169, %dma_start3A_170] : memref<128x129xf32, #tpu.memory_space<vmem>> -> memref<128x128xf32, #tpu.memory_space<vmem>>
    %dma_start3A_172 = arith.constant 0 : i32
    %dma_start3A_173 = arith.constant 0 : i32
    %dma_start3A_174 = tpu.memref_slice %arg3[%dma_start3A_172, %dma_start3A_173] : memref<500000x128xf32, #tpu.memory_space<hbm>> -> memref<500000x128xf32, #tpu.memory_space<hbm>>
    tpu.enqueue_indirect_dma source(%dma_start3A_174 : memref<500000x128xf32, #tpu.memory_space<hbm>>) target(%dma_start3A_171 : memref<128x128xf32, #tpu.memory_space<vmem>>) offsets(%arg7 : memref<128xi32, #tpu.memory_space<vmem>>) semaphore(%arg15 : memref<!tpu.dma_semaphore, #tpu.memory_space<semaphore_mem>>)
    %scan3A = arith.constant 0 : i32
    %scan3A_175 = arith.constant 0 : i32
    %scan3A_176 = arith.constant 52 : i32
    %scan3A_177 = arith.addi %scan3A_175, %scan3A_176 : i32
    %scan3A_178 = arith.constant 1 : i32
    scf.for %scan3A_198 = %scan3A_175 to %scan3A_177 step %scan3A_178  : i32 {
      %mul3A_199 = arith.constant 2 : i32
      %mul3A_200 = arith.muli %mul3A_199, %scan3A_198 : i32
      %add3A_201 = arith.constant 0 : i32
      %add3A_202 = arith.addi %mul3A_200, %add3A_201 : i32
      %mul3A_203 = arith.constant 32 : i32
      %mul3A_204 = arith.muli %add3A_202, %mul3A_203 : i32
      %add3A_205 = arith.addi %mul3A_204, %add3A : i32
      %jit3A_206 = arith.constant 128 : i32
      %div3A_207 = arith.divsi %add3A_205, %jit3A_206 : i32
      %sign3A_208 = arith.constant 0 : i32
      %sign3A_209 = arith.cmpi sgt, %add3A_205, %sign3A_208 : i32
      %sign3A_210 = arith.extui %sign3A_209 : i1 to i32
      %sign3A_211 = arith.constant 0 : i32
      %sign3A_212 = arith.cmpi slt, %add3A_205, %sign3A_211 : i32
      %sign3A_213 = arith.extui %sign3A_212 : i1 to i32
      %sign3A_214 = arith.subi %sign3A_210, %sign3A_213 : i32
      %sign3A_215 = arith.constant 0 : i32
      %sign3A_216 = arith.cmpi sgt, %jit3A_206, %sign3A_215 : i32
      %sign3A_217 = arith.extui %sign3A_216 : i1 to i32
      %sign3A_218 = arith.constant 0 : i32
      %sign3A_219 = arith.cmpi slt, %jit3A_206, %sign3A_218 : i32
      %sign3A_220 = arith.extui %sign3A_219 : i1 to i32
      %sign3A_221 = arith.subi %sign3A_217, %sign3A_220 : i32
      %ne3A_222 = arith.cmpi ne, %sign3A_214, %sign3A_221 : i32
      %rem3A_223 = arith.remsi %add3A_205, %jit3A_206 : i32
      %ne3A_224 = arith.constant 0 : i32
      %ne3A_225 = arith.cmpi ne, %rem3A_223, %ne3A_224 : i32
      %and3A_226 = arith.andi %ne3A_222, %ne3A_225 : i1
      %sub3A_227 = arith.constant 1 : i32
      %sub3A_228 = arith.subi %div3A_207, %sub3A_227 : i32
      %select_n3A_229 = arith.select %and3A_226, %sub3A_228, %div3A_207 : i32
      %jit3A_230 = arith.constant 128 : i32
      %eq3A_231 = arith.constant 0 : i32
      %eq3A_232 = arith.cmpi eq, %jit3A_230, %eq3A_231 : i32
      %jit3A_233 = arith.constant 1 : i32
      %select_n3A_234 = arith.select %eq3A_232, %jit3A_233, %jit3A_230 : i32
      %rem3A_235 = arith.remsi %add3A_205, %select_n3A_234 : i32
      %ne3A_236 = arith.constant 0 : i32
      %ne3A_237 = arith.cmpi ne, %rem3A_235, %ne3A_236 : i32
      %lt3A_238 = arith.constant 0 : i32
      %lt3A_239 = arith.cmpi slt, %rem3A_235, %lt3A_238 : i32
      %lt3A_240 = arith.constant 0 : i32
      %lt3A_241 = arith.cmpi slt, %select_n3A_234, %lt3A_240 : i32
      %ne3A_242 = arith.xori %lt3A_239, %lt3A_241 : i1
      %and3A_243 = arith.andi %ne3A_242, %ne3A_237 : i1
      %add3A_244 = arith.addi %rem3A_235, %select_n3A_234 : i32
      %select_n3A_245 = arith.select %and3A_243, %add3A_244, %rem3A_235 : i32
      %mul3A_246 = arith.constant 128 : i32
      %mul3A_247 = arith.muli %select_n3A_245, %mul3A_246 : i32
      %dma_wait3A_248 = arith.constant 0 : i32
      %dma_wait3A_249 = arith.constant 0 : i32
      %dma_wait3A_250 = tpu.memref_slice %arg9[%dma_wait3A_248, %dma_wait3A_249] : memref<128x129xf32, #tpu.memory_space<vmem>> -> memref<128x128xf32, #tpu.memory_space<vmem>>
      %dma_wait3A_251 = arith.constant 0 : i32
      %dma_wait3A_252 = arith.constant 0 : i32
      %dma_wait3A_253 = tpu.memref_slice %arg3[%dma_wait3A_251, %dma_wait3A_252] : memref<500000x128xf32, #tpu.memory_space<hbm>> -> memref<500000x128xf32, #tpu.memory_space<hbm>>
      tpu.wait_indirect_dma semaphore(%arg15 : memref<!tpu.dma_semaphore, #tpu.memory_space<semaphore_mem>>) src(%dma_wait3A_253 : memref<500000x128xf32, #tpu.memory_space<hbm>>) dst(%dma_wait3A_250 : memref<128x128xf32, #tpu.memory_space<vmem>>)
      %add3A_254 = arith.constant 2 : i32
      %add3A_255 = arith.addi %add3A_202, %add3A_254 : i32
      %sub3A_256 = arith.constant 1 : i32
      %sub3A_257 = arith.subi %add3A_255, %sub3A_256 : i32
      %lt3A_258 = arith.constant 104 : i32
      %lt3A_259 = arith.cmpi slt, %sub3A_257, %lt3A_258 : i32
      %convert_element_type3A = arith.extui %lt3A_259 : i1 to i32
      %cond3A = arith.constant 0 : i32
      %cond3A_260 = arith.cmpi ne, %convert_element_type3A, %cond3A : i32
      scf.if %cond3A_260 {
        %dma_wait3A_492 = arith.constant 0 : i32
        %dma_wait3A_493 = arith.constant 0 : i32
        %dma_wait3A_494 = tpu.memref_slice %arg2[%dma_wait3A_492, %dma_wait3A_493] : memref<26x16384xi32, #tpu.memory_space<hbm>> -> memref<1x128xi32, #tpu.memory_space<hbm>>
        %dma_wait3A_495 = tpu.memref_squeeze %dma_wait3A_494 : memref<1x128xi32, #tpu.memory_space<hbm>> -> memref<128xi32, #tpu.memory_space<hbm>>
        %dma_wait3A_496 = arith.constant 0 : i32
        %dma_wait3A_497 = tpu.memref_slice %arg2[%dma_wait3A_492, %dma_wait3A_496] : memref<26x16384xi32, #tpu.memory_space<hbm>> -> memref<1x128xi32, #tpu.memory_space<hbm>>
        %dma_wait3A_498 = tpu.memref_squeeze %dma_wait3A_497 : memref<1x128xi32, #tpu.memory_space<hbm>> -> memref<128xi32, #tpu.memory_space<hbm>>
        tpu.wait_dma2 semaphore(%arg14 : memref<!tpu.dma_semaphore, #tpu.memory_space<semaphore_mem>>) src(%dma_wait3A_498 : memref<128xi32, #tpu.memory_space<hbm>>) dst(%arg6 : memref<128xi32, #tpu.memory_space<vmem>>)
        %get3A_499 = arith.constant 0 : index
        %get3A_500 = tpu.vector_load %arg6[%get3A_499] {strides = array<i32>} : memref<128xi32, #tpu.memory_space<vmem>>, vector<16xi32>,
        %shift_right_arithmetic3A_501 = arith.constant 1 : i32
        %shift_right_arithmetic3A_502 = vector.broadcast %shift_right_arithmetic3A_501 : i32 to vector<16xi32>
        %shift_right_arithmetic3A_503 = arith.shrsi %get3A_500, %shift_right_arithmetic3A_502 : vector<16xi32>
        %swap3A_504 = arith.constant 0 : index
        %swap3A_505 = tpu.vector_load %arg8[%swap3A_504] {strides = array<i32>} : memref<128xi32, #tpu.memory_space<vmem>>, vector<16xi32>,
        tpu.vector_store %arg8[%swap3A_504], %shift_right_arithmetic3A_503 {strides = array<i32>} : memref<128xi32, #tpu.memory_space<vmem>>, vector<16xi32>,
        %get3A_506 = arith.constant 16 : index
        %get3A_507 = tpu.vector_load %arg6[%get3A_506] {strides = array<i32>} : memref<128xi32, #tpu.memory_space<vmem>>, vector<16xi32>,
        %shift_right_arithmetic3A_508 = arith.constant 1 : i32
        %shift_right_arithmetic3A_509 = vector.broadcast %shift_right_arithmetic3A_508 : i32 to vector<16xi32>
        %shift_right_arithmetic3A_510 = arith.shrsi %get3A_507, %shift_right_arithmetic3A_509 : vector<16xi32>
        %swap3A_511 = arith.constant 16 : index
        %swap3A_512 = tpu.vector_load %arg8[%swap3A_511] {strides = array<i32>} : memref<128xi32, #tpu.memory_space<vmem>>, vector<16xi32>,
        tpu.vector_store %arg8[%swap3A_511], %shift_right_arithmetic3A_510 {strides = array<i32>} : memref<128xi32, #tpu.memory_space<vmem>>, vector<16xi32>,
        %get3A_513 = arith.constant 32 : index
        %get3A_514 = tpu.vector_load %arg6[%get3A_513] {strides = array<i32>} : memref<128xi32, #tpu.memory_space<vmem>>, vector<16xi32>,
        %shift_right_arithmetic3A_515 = arith.constant 1 : i32
        %shift_right_arithmetic3A_516 = vector.broadcast %shift_right_arithmetic3A_515 : i32 to vector<16xi32>
        %shift_right_arithmetic3A_517 = arith.shrsi %get3A_514, %shift_right_arithmetic3A_516 : vector<16xi32>
        %swap3A_518 = arith.constant 32 : index
        %swap3A_519 = tpu.vector_load %arg8[%swap3A_518] {strides = array<i32>} : memref<128xi32, #tpu.memory_space<vmem>>, vector<16xi32>,
        tpu.vector_store %arg8[%swap3A_518], %shift_right_arithmetic3A_517 {strides = array<i32>} : memref<128xi32, #tpu.memory_space<vmem>>, vector<16xi32>,
        %get3A_520 = arith.constant 48 : index
        %get3A_521 = tpu.vector_load %arg6[%get3A_520] {strides = array<i32>} : memref<128xi32, #tpu.memory_space<vmem>>, vector<16xi32>,
        %shift_right_arithmetic3A_522 = arith.constant 1 : i32
        %shift_right_arithmetic3A_523 = vector.broadcast %shift_right_arithmetic3A_522 : i32 to vector<16xi32>
        %shift_right_arithmetic3A_524 = arith.shrsi %get3A_521, %shift_right_arithmetic3A_523 : vector<16xi32>
        %swap3A_525 = arith.constant 48 : index
        %swap3A_526 = tpu.vector_load %arg8[%swap3A_525] {strides = array<i32>} : memref<128xi32, #tpu.memory_space<vmem>>, vector<16xi32>,
        tpu.vector_store %arg8[%swap3A_525], %shift_right_arithmetic3A_524 {strides = array<i32>} : memref<128xi32, #tpu.memory_space<vmem>>, vector<16xi32>,
        %get3A_527 = arith.constant 64 : index
        %get3A_528 = tpu.vector_load %arg6[%get3A_527] {strides = array<i32>} : memref<128xi32, #tpu.memory_space<vmem>>, vector<16xi32>,
        %shift_right_arithmetic3A_529 = arith.constant 1 : i32
        %shift_right_arithmetic3A_530 = vector.broadcast %shift_right_arithmetic3A_529 : i32 to vector<16xi32>
        %shift_right_arithmetic3A_531 = arith.shrsi %get3A_528, %shift_right_arithmetic3A_530 : vector<16xi32>
        %swap3A_532 = arith.constant 64 : index
        %swap3A_533 = tpu.vector_load %arg8[%swap3A_532] {strides = array<i32>} : memref<128xi32, #tpu.memory_space<vmem>>, vector<16xi32>,
        tpu.vector_store %arg8[%swap3A_532], %shift_right_arithmetic3A_531 {strides = array<i32>} : memref<128xi32, #tpu.memory_space<vmem>>, vector<16xi32>,
        %get3A_534 = arith.constant 80 : index
        %get3A_535 = tpu.vector_load %arg6[%get3A_534] {strides = array<i32>} : memref<128xi32, #tpu.memory_space<vmem>>, vector<16xi32>,
        %shift_right_arithmetic3A_536 = arith.constant 1 : i32
        %shift_right_arithmetic3A_537 = vector.broadcast %shift_right_arithmetic3A_536 : i32 to vector<16xi32>
        %shift_right_arithmetic3A_538 = arith.shrsi %get3A_535, %shift_right_arithmetic3A_537 : vector<16xi32>
        %swap3A_539 = arith.constant 80 : index
        %swap3A_540 = tpu.vector_load %arg8[%swap3A_539] {strides = array<i32>} : memref<128xi32, #tpu.memory_space<vmem>>, vector<16xi32>,
        tpu.vector_store %arg8[%swap3A_539], %shift_right_arithmetic3A_538 {strides = array<i32>} : memref<128xi32, #tpu.memory_space<vmem>>, vector<16xi32>,
        %get3A_541 = arith.constant 96 : index
        %get3A_542 = tpu.vector_load %arg6[%get3A_541] {strides = array<i32>} : memref<128xi32, #tpu.memory_space<vmem>>, vector<16xi32>,
        %shift_right_arithmetic3A_543 = arith.constant 1 : i32
        %shift_right_arithmetic3A_544 = vector.broadcast %shift_right_arithmetic3A_543 : i32 to vector<16xi32>
        %shift_right_arithmetic3A_545 = arith.shrsi %get3A_542, %shift_right_arithmetic3A_544 : vector<16xi32>
        %swap3A_546 = arith.constant 96 : index
        %swap3A_547 = tpu.vector_load %arg8[%swap3A_546] {strides = array<i32>} : memref<128xi32, #tpu.memory_space<vmem>>, vector<16xi32>,
        tpu.vector_store %arg8[%swap3A_546], %shift_right_arithmetic3A_545 {strides = array<i32>} : memref<128xi32, #tpu.memory_space<vmem>>, vector<16xi32>,
        %get3A_548 = arith.constant 112 : index
        %get3A_549 = tpu.vector_load %arg6[%get3A_548] {strides = array<i32>} : memref<128xi32, #tpu.memory_space<vmem>>, vector<16xi32>,
        %shift_right_arithmetic3A_550 = arith.constant 1 : i32
        %shift_right_arithmetic3A_551 = vector.broadcast %shift_right_arithmetic3A_550 : i32 to vector<16xi32>
        %shift_right_arithmetic3A_552 = arith.shrsi %get3A_549, %shift_right_arithmetic3A_551 : vector<16xi32>
        %swap3A_553 = arith.constant 112 : index
        %swap3A_554 = tpu.vector_load %arg8[%swap3A_553] {strides = array<i32>} : memref<128xi32, #tpu.memory_space<vmem>>, vector<16xi32>,
        tpu.vector_store %arg8[%swap3A_553], %shift_right_arithmetic3A_552 {strides = array<i32>} : memref<128xi32, #tpu.memory_space<vmem>>, vector<16xi32>,
        %dma_start3A_555 = arith.constant 0 : i32
        %dma_start3A_556 = arith.constant 0 : i32
        %dma_start3A_557 = tpu.memref_slice %arg10[%dma_start3A_555, %dma_start3A_556] : memref<128x129xf32, #tpu.memory_space<vmem>> -> memref<128x128xf32, #tpu.memory_space<vmem>>
        %dma_start3A_558 = arith.constant 0 : i32
        %dma_start3A_559 = arith.constant 0 : i32
        %dma_start3A_560 = tpu.memref_slice %arg3[%dma_start3A_558, %dma_start3A_559] : memref<500000x128xf32, #tpu.memory_space<hbm>> -> memref<500000x128xf32, #tpu.memory_space<hbm>>
        tpu.enqueue_indirect_dma source(%dma_start3A_560 : memref<500000x128xf32, #tpu.memory_space<hbm>>) target(%dma_start3A_557 : memref<128x128xf32, #tpu.memory_space<vmem>>) offsets(%arg8 : memref<128xi32, #tpu.memory_space<vmem>>) semaphore(%arg16 : memref<!tpu.dma_semaphore, #tpu.memory_space<semaphore_mem>>)
      } else {
      }
      %get3A_261 = arith.constant 0 : index
      %get3A_262 = tpu.vector_load %arg5[%get3A_261] {strides = array<i32>} : memref<128xi32, #tpu.memory_space<vmem>>, vector<16xi32>,
      %and3A_263 = arith.constant 1 : i32
      %and3A_264 = vector.broadcast %and3A_263 : i32 to vector<16xi32>
      %and3A_265 = arith.andi %get3A_262, %and3A_264 : vector<16xi32>
      %shift_left3A = arith.constant 6 : i32
      %shift_left3A_266 = vector.broadcast %shift_left3A : i32 to vector<16xi32>
      %shift_left3A_267 = arith.shli %and3A_265, %shift_left3A_266 : vector<16xi32>
      %get3A_268 = arith.constant 16 : index
      %get3A_269 = tpu.vector_load %arg5[%get3A_268] {strides = array<i32>} : memref<128xi32, #tpu.memory_space<vmem>>, vector<16xi32>,
      %and3A_270 = arith.constant 1 : i32
      %and3A_271 = vector.broadcast %and3A_270 : i32 to vector<16xi32>
      %and3A_272 = arith.andi %get3A_269, %and3A_271 : vector<16xi32>
      %shift_left3A_273 = arith.constant 6 : i32
      %shift_left3A_274 = vector.broadcast %shift_left3A_273 : i32 to vector<16xi32>
      %shift_left3A_275 = arith.shli %and3A_272, %shift_left3A_274 : vector<16xi32>
      %get3A_276 = arith.constant 32 : index
      %get3A_277 = tpu.vector_load %arg5[%get3A_276] {strides = array<i32>} : memref<128xi32, #tpu.memory_space<vmem>>, vector<16xi32>,
      %and3A_278 = arith.constant 1 : i32
      %and3A_279 = vector.broadcast %and3A_278 : i32 to vector<16xi32>
      %and3A_280 = arith.andi %get3A_277, %and3A_279 : vector<16xi32>
      %shift_left3A_281 = arith.constant 6 : i32
      %shift_left3A_282 = vector.broadcast %shift_left3A_281 : i32 to vector<16xi32>
      %shift_left3A_283 = arith.shli %and3A_280, %shift_left3A_282 : vector<16xi32>
      %get3A_284 = arith.constant 48 : index
      %get3A_285 = tpu.vector_load %arg5[%get3A_284] {strides = array<i32>} : memref<128xi32, #tpu.memory_space<vmem>>, vector<16xi32>,
      %and3A_286 = arith.constant 1 : i32
      %and3A_287 = vector.broadcast %and3A_286 : i32 to vector<16xi32>
      %and3A_288 = arith.andi %get3A_285, %and3A_287 : vector<16xi32>
      %shift_left3A_289 = arith.constant 6 : i32
      %shift_left3A_290 = vector.broadcast %shift_left3A_289 : i32 to vector<16xi32>
      %shift_left3A_291 = arith.shli %and3A_288, %shift_left3A_290 : vector<16xi32>
      %get3A_292 = arith.constant 64 : index
      %get3A_293 = tpu.vector_load %arg5[%get3A_292] {strides = array<i32>} : memref<128xi32, #tpu.memory_space<vmem>>, vector<16xi32>,
      %and3A_294 = arith.constant 1 : i32
      %and3A_295 = vector.broadcast %and3A_294 : i32 to vector<16xi32>
      %and3A_296 = arith.andi %get3A_293, %and3A_295 : vector<16xi32>
      %shift_left3A_297 = arith.constant 6 : i32
      %shift_left3A_298 = vector.broadcast %shift_left3A_297 : i32 to vector<16xi32>
      %shift_left3A_299 = arith.shli %and3A_296, %shift_left3A_298 : vector<16xi32>
      %get3A_300 = arith.constant 80 : index
      %get3A_301 = tpu.vector_load %arg5[%get3A_300] {strides = array<i32>} : memref<128xi32, #tpu.memory_space<vmem>>, vector<16xi32>,
      %and3A_302 = arith.constant 1 : i32
      %and3A_303 = vector.broadcast %and3A_302 : i32 to vector<16xi32>
      %and3A_304 = arith.andi %get3A_301, %and3A_303 : vector<16xi32>
      %shift_left3A_305 = arith.constant 6 : i32
      %shift_left3A_306 = vector.broadcast %shift_left3A_305 : i32 to vector<16xi32>
      %shift_left3A_307 = arith.shli %and3A_304, %shift_left3A_306 : vector<16xi32>
      %get3A_308 = arith.constant 96 : index
      %get3A_309 = tpu.vector_load %arg5[%get3A_308] {strides = array<i32>} : memref<128xi32, #tpu.memory_space<vmem>>, vector<16xi32>,
      %and3A_310 = arith.constant 1 : i32
      %and3A_311 = vector.broadcast %and3A_310 : i32 to vector<16xi32>
      %and3A_312 = arith.andi %get3A_309, %and3A_311 : vector<16xi32>
      %shift_left3A_313 = arith.constant 6 : i32
      %shift_left3A_314 = vector.broadcast %shift_left3A_313 : i32 to vector<16xi32>
      %shift_left3A_315 = arith.shli %and3A_312, %shift_left3A_314 : vector<16xi32>
      %get3A_316 = arith.constant 112 : index
      %get3A_317 = tpu.vector_load %arg5[%get3A_316] {strides = array<i32>} : memref<128xi32, #tpu.memory_space<vmem>>, vector<16xi32>,
      %and3A_318 = arith.constant 1 : i32
      %and3A_319 = vector.broadcast %and3A_318 : i32 to vector<16xi32>
      %and3A_320 = arith.andi %get3A_317, %and3A_319 : vector<16xi32>
      %shift_left3A_321 = arith.constant 6 : i32
      %shift_left3A_322 = vector.broadcast %shift_left3A_321 : i32 to vector<16xi32>
      %shift_left3A_323 = arith.shli %and3A_320, %shift_left3A_322 : vector<16xi32>
      %ge3A = arith.constant 2 : i32
      %ge3A_324 = arith.cmpi sge, %add3A_202, %ge3A : i32
      %convert_element_type3A_325 = arith.extui %ge3A_324 : i1 to i32
      %cond3A_326 = arith.constant 0 : i32
      %cond3A_327 = arith.cmpi ne, %convert_element_type3A_325, %cond3A_326 : i32
      scf.if %cond3A_327 {
        %dma_wait3A_492 = arith.constant 0 : i32
        %dma_wait3A_493 = arith.constant 0 : i32
        %dma_wait3A_494 = arith.constant 0 : i32
        %dma_wait3A_495 = tpu.memref_slice %arg4[%dma_wait3A_492, %dma_wait3A_493, %dma_wait3A_494] : memref<26x64x16384xf32, #tpu.memory_space<hbm>> -> memref<1x64x128xf32, #tpu.memory_space<hbm>>
        %dma_wait3A_496 = tpu.memref_squeeze %dma_wait3A_495 : memref<1x64x128xf32, #tpu.memory_space<hbm>> -> memref<64x128xf32, #tpu.memory_space<hbm>>
        %dma_wait3A_497 = arith.constant 0 : i32
        %dma_wait3A_498 = arith.constant 0 : i32
        %dma_wait3A_499 = tpu.memref_slice %arg4[%dma_wait3A_492, %dma_wait3A_497, %dma_wait3A_498] : memref<26x64x16384xf32, #tpu.memory_space<hbm>> -> memref<1x64x128xf32, #tpu.memory_space<hbm>>
        %dma_wait3A_500 = tpu.memref_squeeze %dma_wait3A_499 : memref<1x64x128xf32, #tpu.memory_space<hbm>> -> memref<64x128xf32, #tpu.memory_space<hbm>>
        tpu.wait_dma2 semaphore(%arg17 : memref<!tpu.dma_semaphore, #tpu.memory_space<semaphore_mem>>) src(%arg11 : memref<64x128xf32, #tpu.memory_space<vmem>>) dst(%dma_wait3A_500 : memref<64x128xf32, #tpu.memory_space<hbm>>)
      } else {
      }
      %parallel_loop3A = arith.constant 0 : i32
      %parallel_loop3A_328 = arith.constant 64 : i32
      %parallel_loop3A_329 = arith.constant 1 : i32
      scf.for %parallel_loop3A_492 = %parallel_loop3A to %parallel_loop3A_328 step %parallel_loop3A_329  : i32 {
        %parallel_loop3A_493 = vector.broadcast %parallel_loop3A_492 : i32 to vector<16xi32>
        %parallel_loop3A_494 = arith.addi %shift_left3A_267, %parallel_loop3A_493 : vector<16xi32>
        %parallel_loop3A_495 = tpu.vector_load_idx %arg9[%add3A_3, %parallel_loop3A_494] : memref<128x129xf32, #tpu.memory_space<vmem>>[vector<16xi32>, vector<16xi32>], vector<16xf32>,
        %parallel_loop3A_496 = arith.index_cast %parallel_loop3A_492 : i32 to index
        %parallel_loop3A_497 = arith.constant 0 : index
        %parallel_loop3A_498 = tpu.vector_load %arg11[%parallel_loop3A_496, %parallel_loop3A_497] {strides = array<i32>} : memref<64x128xf32, #tpu.memory_space<vmem>>, vector<16xf32>,
        tpu.vector_store %arg11[%parallel_loop3A_496, %parallel_loop3A_497], %parallel_loop3A_495 {strides = array<i32>} : memref<64x128xf32, #tpu.memory_space<vmem>>, vector<16xf32>,
        %parallel_loop3A_499 = vector.broadcast %parallel_loop3A_492 : i32 to vector<16xi32>
        %parallel_loop3A_500 = arith.addi %shift_left3A_275, %parallel_loop3A_499 : vector<16xi32>
        %parallel_loop3A_501 = tpu.vector_load_idx %arg9[%add3A_6, %parallel_loop3A_500] : memref<128x129xf32, #tpu.memory_space<vmem>>[vector<16xi32>, vector<16xi32>], vector<16xf32>,
        %parallel_loop3A_502 = arith.index_cast %parallel_loop3A_492 : i32 to index
        %parallel_loop3A_503 = arith.constant 16 : index
        %parallel_loop3A_504 = tpu.vector_load %arg11[%parallel_loop3A_502, %parallel_loop3A_503] {strides = array<i32>} : memref<64x128xf32, #tpu.memory_space<vmem>>, vector<16xf32>,
        tpu.vector_store %arg11[%parallel_loop3A_502, %parallel_loop3A_503], %parallel_loop3A_501 {strides = array<i32>} : memref<64x128xf32, #tpu.memory_space<vmem>>, vector<16xf32>,
        %parallel_loop3A_505 = vector.broadcast %parallel_loop3A_492 : i32 to vector<16xi32>
        %parallel_loop3A_506 = arith.addi %shift_left3A_283, %parallel_loop3A_505 : vector<16xi32>
        %parallel_loop3A_507 = tpu.vector_load_idx %arg9[%add3A_9, %parallel_loop3A_506] : memref<128x129xf32, #tpu.memory_space<vmem>>[vector<16xi32>, vector<16xi32>], vector<16xf32>,
        %parallel_loop3A_508 = arith.index_cast %parallel_loop3A_492 : i32 to index
        %parallel_loop3A_509 = arith.constant 32 : index
        %parallel_loop3A_510 = tpu.vector_load %arg11[%parallel_loop3A_508, %parallel_loop3A_509] {strides = array<i32>} : memref<64x128xf32, #tpu.memory_space<vmem>>, vector<16xf32>,
        tpu.vector_store %arg11[%parallel_loop3A_508, %parallel_loop3A_509], %parallel_loop3A_507 {strides = array<i32>} : memref<64x128xf32, #tpu.memory_space<vmem>>, vector<16xf32>,
        %parallel_loop3A_511 = vector.broadcast %parallel_loop3A_492 : i32 to vector<16xi32>
        %parallel_loop3A_512 = arith.addi %shift_left3A_291, %parallel_loop3A_511 : vector<16xi32>
        %parallel_loop3A_513 = tpu.vector_load_idx %arg9[%add3A_12, %parallel_loop3A_512] : memref<128x129xf32, #tpu.memory_space<vmem>>[vector<16xi32>, vector<16xi32>], vector<16xf32>,
        %parallel_loop3A_514 = arith.index_cast %parallel_loop3A_492 : i32 to index
        %parallel_loop3A_515 = arith.constant 48 : index
        %parallel_loop3A_516 = tpu.vector_load %arg11[%parallel_loop3A_514, %parallel_loop3A_515] {strides = array<i32>} : memref<64x128xf32, #tpu.memory_space<vmem>>, vector<16xf32>,
        tpu.vector_store %arg11[%parallel_loop3A_514, %parallel_loop3A_515], %parallel_loop3A_513 {strides = array<i32>} : memref<64x128xf32, #tpu.memory_space<vmem>>, vector<16xf32>,
        %parallel_loop3A_517 = vector.broadcast %parallel_loop3A_492 : i32 to vector<16xi32>
        %parallel_loop3A_518 = arith.addi %shift_left3A_299, %parallel_loop3A_517 : vector<16xi32>
        %parallel_loop3A_519 = tpu.vector_load_idx %arg9[%add3A_15, %parallel_loop3A_518] : memref<128x129xf32, #tpu.memory_space<vmem>>[vector<16xi32>, vector<16xi32>], vector<16xf32>,
        %parallel_loop3A_520 = arith.index_cast %parallel_loop3A_492 : i32 to index
        %parallel_loop3A_521 = arith.constant 64 : index
        %parallel_loop3A_522 = tpu.vector_load %arg11[%parallel_loop3A_520, %parallel_loop3A_521] {strides = array<i32>} : memref<64x128xf32, #tpu.memory_space<vmem>>, vector<16xf32>,
        tpu.vector_store %arg11[%parallel_loop3A_520, %parallel_loop3A_521], %parallel_loop3A_519 {strides = array<i32>} : memref<64x128xf32, #tpu.memory_space<vmem>>, vector<16xf32>,
        %parallel_loop3A_523 = vector.broadcast %parallel_loop3A_492 : i32 to vector<16xi32>
        %parallel_loop3A_524 = arith.addi %shift_left3A_307, %parallel_loop3A_523 : vector<16xi32>
        %parallel_loop3A_525 = tpu.vector_load_idx %arg9[%add3A_18, %parallel_loop3A_524] : memref<128x129xf32, #tpu.memory_space<vmem>>[vector<16xi32>, vector<16xi32>], vector<16xf32>,
        %parallel_loop3A_526 = arith.index_cast %parallel_loop3A_492 : i32 to index
        %parallel_loop3A_527 = arith.constant 80 : index
        %parallel_loop3A_528 = tpu.vector_load %arg11[%parallel_loop3A_526, %parallel_loop3A_527] {strides = array<i32>} : memref<64x128xf32, #tpu.memory_space<vmem>>, vector<16xf32>,
        tpu.vector_store %arg11[%parallel_loop3A_526, %parallel_loop3A_527], %parallel_loop3A_525 {strides = array<i32>} : memref<64x128xf32, #tpu.memory_space<vmem>>, vector<16xf32>,
        %parallel_loop3A_529 = vector.broadcast %parallel_loop3A_492 : i32 to vector<16xi32>
        %parallel_loop3A_530 = arith.addi %shift_left3A_315, %parallel_loop3A_529 : vector<16xi32>
        %parallel_loop3A_531 = tpu.vector_load_idx %arg9[%add3A_21, %parallel_loop3A_530] : memref<128x129xf32, #tpu.memory_space<vmem>>[vector<16xi32>, vector<16xi32>], vector<16xf32>,
        %parallel_loop3A_532 = arith.index_cast %parallel_loop3A_492 : i32 to index
        %parallel_loop3A_533 = arith.constant 96 : index
        %parallel_loop3A_534 = tpu.vector_load %arg11[%parallel_loop3A_532, %parallel_loop3A_533] {strides = array<i32>} : memref<64x128xf32, #tpu.memory_space<vmem>>, vector<16xf32>,
        tpu.vector_store %arg11[%parallel_loop3A_532, %parallel_loop3A_533], %parallel_loop3A_531 {strides = array<i32>} : memref<64x128xf32, #tpu.memory_space<vmem>>, vector<16xf32>,
        %parallel_loop3A_535 = vector.broadcast %parallel_loop3A_492 : i32 to vector<16xi32>
        %parallel_loop3A_536 = arith.addi %shift_left3A_323, %parallel_loop3A_535 : vector<16xi32>
        %parallel_loop3A_537 = tpu.vector_load_idx %arg9[%add3A_24, %parallel_loop3A_536] : memref<128x129xf32, #tpu.memory_space<vmem>>[vector<16xi32>, vector<16xi32>], vector<16xf32>,
        %parallel_loop3A_538 = arith.index_cast %parallel_loop3A_492 : i32 to index
        %parallel_loop3A_539 = arith.constant 112 : index
        %parallel_loop3A_540 = tpu.vector_load %arg11[%parallel_loop3A_538, %parallel_loop3A_539] {strides = array<i32>} : memref<64x128xf32, #tpu.memory_space<vmem>>, vector<16xf32>,
        tpu.vector_store %arg11[%parallel_loop3A_538, %parallel_loop3A_539], %parallel_loop3A_537 {strides = array<i32>} : memref<64x128xf32, #tpu.memory_space<vmem>>, vector<16xf32>,
      } {sc.loop_unroll_factor = 2 : i64, sc.parallel_access}
      %dma_start3A_330 = arith.constant 0 : i32
      %dma_start3A_331 = tpu.memref_slice %arg4[%select_n3A_229, %dma_start3A_330, %mul3A_247] : memref<26x64x16384xf32, #tpu.memory_space<hbm>> -> memref<1x64x128xf32, #tpu.memory_space<hbm>>
      %dma_start3A_332 = tpu.memref_squeeze %dma_start3A_331 : memref<1x64x128xf32, #tpu.memory_space<hbm>> -> memref<64x128xf32, #tpu.memory_space<hbm>>
      %dma_start3A_333 = arith.constant 0 : i32
      %dma_start3A_334 = tpu.memref_slice %arg4[%select_n3A_229, %dma_start3A_333, %mul3A_247] : memref<26x64x16384xf32, #tpu.memory_space<hbm>> -> memref<1x64x128xf32, #tpu.memory_space<hbm>>
      %dma_start3A_335 = tpu.memref_squeeze %dma_start3A_334 : memref<1x64x128xf32, #tpu.memory_space<hbm>> -> memref<64x128xf32, #tpu.memory_space<hbm>>
      tpu.enqueue_dma source(%arg11 : memref<64x128xf32, #tpu.memory_space<vmem>>) target(%dma_start3A_335 : memref<64x128xf32, #tpu.memory_space<hbm>>) target_semaphore(%arg17 : memref<!tpu.dma_semaphore, #tpu.memory_space<semaphore_mem>>)
      %add3A_336 = arith.constant 2 : i32
      %add3A_337 = arith.addi %add3A_202, %add3A_336 : i32
      %lt3A_338 = arith.constant 104 : i32
      %lt3A_339 = arith.cmpi slt, %add3A_337, %lt3A_338 : i32
      %convert_element_type3A_340 = arith.extui %lt3A_339 : i1 to i32
      %cond3A_341 = arith.constant 0 : i32
      %cond3A_342 = arith.cmpi ne, %convert_element_type3A_340, %cond3A_341 : i32
      scf.if %cond3A_342 {
        %mul3A_492 = arith.constant 32 : i32
        %mul3A_493 = arith.muli %add3A_337, %mul3A_492 : i32
        %add3A_494 = arith.addi %mul3A_493, %add3A : i32
        %jit3A_495 = arith.constant 128 : i32
        %div3A_496 = arith.divsi %add3A_494, %jit3A_495 : i32
        %sign3A_497 = arith.constant 0 : i32
        %sign3A_498 = arith.cmpi sgt, %add3A_494, %sign3A_497 : i32
        %sign3A_499 = arith.extui %sign3A_498 : i1 to i32
        %sign3A_500 = arith.constant 0 : i32
        %sign3A_501 = arith.cmpi slt, %add3A_494, %sign3A_500 : i32
        %sign3A_502 = arith.extui %sign3A_501 : i1 to i32
        %sign3A_503 = arith.subi %sign3A_499, %sign3A_502 : i32
        %sign3A_504 = arith.constant 0 : i32
        %sign3A_505 = arith.cmpi sgt, %jit3A_495, %sign3A_504 : i32
        %sign3A_506 = arith.extui %sign3A_505 : i1 to i32
        %sign3A_507 = arith.constant 0 : i32
        %sign3A_508 = arith.cmpi slt, %jit3A_495, %sign3A_507 : i32
        %sign3A_509 = arith.extui %sign3A_508 : i1 to i32
        %sign3A_510 = arith.subi %sign3A_506, %sign3A_509 : i32
        %ne3A_511 = arith.cmpi ne, %sign3A_503, %sign3A_510 : i32
        %rem3A_512 = arith.remsi %add3A_494, %jit3A_495 : i32
        %ne3A_513 = arith.constant 0 : i32
        %ne3A_514 = arith.cmpi ne, %rem3A_512, %ne3A_513 : i32
        %and3A_515 = arith.andi %ne3A_511, %ne3A_514 : i1
        %sub3A_516 = arith.constant 1 : i32
        %sub3A_517 = arith.subi %div3A_496, %sub3A_516 : i32
        %select_n3A_518 = arith.select %and3A_515, %sub3A_517, %div3A_496 : i32
        %jit3A_519 = arith.constant 128 : i32
        %eq3A_520 = arith.constant 0 : i32
        %eq3A_521 = arith.cmpi eq, %jit3A_519, %eq3A_520 : i32
        %jit3A_522 = arith.constant 1 : i32
        %select_n3A_523 = arith.select %eq3A_521, %jit3A_522, %jit3A_519 : i32
        %rem3A_524 = arith.remsi %add3A_494, %select_n3A_523 : i32
        %ne3A_525 = arith.constant 0 : i32
        %ne3A_526 = arith.cmpi ne, %rem3A_524, %ne3A_525 : i32
        %lt3A_527 = arith.constant 0 : i32
        %lt3A_528 = arith.cmpi slt, %rem3A_524, %lt3A_527 : i32
        %lt3A_529 = arith.constant 0 : i32
        %lt3A_530 = arith.cmpi slt, %select_n3A_523, %lt3A_529 : i32
        %ne3A_531 = arith.xori %lt3A_528, %lt3A_530 : i1
        %and3A_532 = arith.andi %ne3A_531, %ne3A_526 : i1
        %add3A_533 = arith.addi %rem3A_524, %select_n3A_523 : i32
        %select_n3A_534 = arith.select %and3A_532, %add3A_533, %rem3A_524 : i32
        %mul3A_535 = arith.constant 128 : i32
        %mul3A_536 = arith.muli %select_n3A_534, %mul3A_535 : i32
        %dma_start3A_537 = tpu.memref_slice %arg2[%select_n3A_518, %mul3A_536] : memref<26x16384xi32, #tpu.memory_space<hbm>> -> memref<1x128xi32, #tpu.memory_space<hbm>>
        %dma_start3A_538 = tpu.memref_squeeze %dma_start3A_537 : memref<1x128xi32, #tpu.memory_space<hbm>> -> memref<128xi32, #tpu.memory_space<hbm>>
        %dma_start3A_539 = tpu.memref_slice %arg2[%select_n3A_518, %mul3A_536] : memref<26x16384xi32, #tpu.memory_space<hbm>> -> memref<1x128xi32, #tpu.memory_space<hbm>>
        %dma_start3A_540 = tpu.memref_squeeze %dma_start3A_539 : memref<1x128xi32, #tpu.memory_space<hbm>> -> memref<128xi32, #tpu.memory_space<hbm>>
        tpu.enqueue_dma source(%dma_start3A_540 : memref<128xi32, #tpu.memory_space<hbm>>) target(%arg5 : memref<128xi32, #tpu.memory_space<vmem>>) target_semaphore(%arg13 : memref<!tpu.dma_semaphore, #tpu.memory_space<semaphore_mem>>)
      } else {
      }
      %mul3A_343 = arith.constant 2 : i32
      %mul3A_344 = arith.muli %mul3A_343, %scan3A_198 : i32
      %add3A_345 = arith.constant 1 : i32
      %add3A_346 = arith.addi %mul3A_344, %add3A_345 : i32
      %mul3A_347 = arith.constant 32 : i32
      %mul3A_348 = arith.muli %add3A_346, %mul3A_347 : i32
      %add3A_349 = arith.addi %mul3A_348, %add3A : i32
      %jit3A_350 = arith.constant 128 : i32
      %div3A_351 = arith.divsi %add3A_349, %jit3A_350 : i32
      %sign3A_352 = arith.constant 0 : i32
      %sign3A_353 = arith.cmpi sgt, %add3A_349, %sign3A_352 : i32
      %sign3A_354 = arith.extui %sign3A_353 : i1 to i32
      %sign3A_355 = arith.constant 0 : i32
      %sign3A_356 = arith.cmpi slt, %add3A_349, %sign3A_355 : i32
      %sign3A_357 = arith.extui %sign3A_356 : i1 to i32
      %sign3A_358 = arith.subi %sign3A_354, %sign3A_357 : i32
      %sign3A_359 = arith.constant 0 : i32
      %sign3A_360 = arith.cmpi sgt, %jit3A_350, %sign3A_359 : i32
      %sign3A_361 = arith.extui %sign3A_360 : i1 to i32
      %sign3A_362 = arith.constant 0 : i32
      %sign3A_363 = arith.cmpi slt, %jit3A_350, %sign3A_362 : i32
      %sign3A_364 = arith.extui %sign3A_363 : i1 to i32
      %sign3A_365 = arith.subi %sign3A_361, %sign3A_364 : i32
      %ne3A_366 = arith.cmpi ne, %sign3A_358, %sign3A_365 : i32
      %rem3A_367 = arith.remsi %add3A_349, %jit3A_350 : i32
      %ne3A_368 = arith.constant 0 : i32
      %ne3A_369 = arith.cmpi ne, %rem3A_367, %ne3A_368 : i32
      %and3A_370 = arith.andi %ne3A_366, %ne3A_369 : i1
      %sub3A_371 = arith.constant 1 : i32
      %sub3A_372 = arith.subi %div3A_351, %sub3A_371 : i32
      %select_n3A_373 = arith.select %and3A_370, %sub3A_372, %div3A_351 : i32
      %jit3A_374 = arith.constant 128 : i32
      %eq3A_375 = arith.constant 0 : i32
      %eq3A_376 = arith.cmpi eq, %jit3A_374, %eq3A_375 : i32
      %jit3A_377 = arith.constant 1 : i32
      %select_n3A_378 = arith.select %eq3A_376, %jit3A_377, %jit3A_374 : i32
      %rem3A_379 = arith.remsi %add3A_349, %select_n3A_378 : i32
      %ne3A_380 = arith.constant 0 : i32
      %ne3A_381 = arith.cmpi ne, %rem3A_379, %ne3A_380 : i32
      %lt3A_382 = arith.constant 0 : i32
      %lt3A_383 = arith.cmpi slt, %rem3A_379, %lt3A_382 : i32
      %lt3A_384 = arith.constant 0 : i32
      %lt3A_385 = arith.cmpi slt, %select_n3A_378, %lt3A_384 : i32
      %ne3A_386 = arith.xori %lt3A_383, %lt3A_385 : i1
      %and3A_387 = arith.andi %ne3A_386, %ne3A_381 : i1
      %add3A_388 = arith.addi %rem3A_379, %select_n3A_378 : i32
      %select_n3A_389 = arith.select %and3A_387, %add3A_388, %rem3A_379 : i32
      %mul3A_390 = arith.constant 128 : i32
      %mul3A_391 = arith.muli %select_n3A_389, %mul3A_390 : i32
      %dma_wait3A_392 = arith.constant 0 : i32
      %dma_wait3A_393 = arith.constant 0 : i32
      %dma_wait3A_394 = tpu.memref_slice %arg10[%dma_wait3A_392, %dma_wait3A_393] : memref<128x129xf32, #tpu.memory_space<vmem>> -> memref<128x128xf32, #tpu.memory_space<vmem>>
      %dma_wait3A_395 = arith.constant 0 : i32
      %dma_wait3A_396 = arith.constant 0 : i32
      %dma_wait3A_397 = tpu.memref_slice %arg3[%dma_wait3A_395, %dma_wait3A_396] : memref<500000x128xf32, #tpu.memory_space<hbm>> -> memref<500000x128xf32, #tpu.memory_space<hbm>>
      tpu.wait_indirect_dma semaphore(%arg16 : memref<!tpu.dma_semaphore, #tpu.memory_space<semaphore_mem>>) src(%dma_wait3A_397 : memref<500000x128xf32, #tpu.memory_space<hbm>>) dst(%dma_wait3A_394 : memref<128x128xf32, #tpu.memory_space<vmem>>)
      %add3A_398 = arith.constant 2 : i32
      %add3A_399 = arith.addi %add3A_346, %add3A_398 : i32
      %sub3A_400 = arith.constant 1 : i32
      %sub3A_401 = arith.subi %add3A_399, %sub3A_400 : i32
      %lt3A_402 = arith.constant 104 : i32
      %lt3A_403 = arith.cmpi slt, %sub3A_401, %lt3A_402 : i32
      %convert_element_type3A_404 = arith.extui %lt3A_403 : i1 to i32
      %cond3A_405 = arith.constant 0 : i32
      %cond3A_406 = arith.cmpi ne, %convert_element_type3A_404, %cond3A_405 : i32
      scf.if %cond3A_406 {
        %dma_wait3A_492 = arith.constant 0 : i32
        %dma_wait3A_493 = arith.constant 0 : i32
        %dma_wait3A_494 = tpu.memref_slice %arg2[%dma_wait3A_492, %dma_wait3A_493] : memref<26x16384xi32, #tpu.memory_space<hbm>> -> memref<1x128xi32, #tpu.memory_space<hbm>>
        %dma_wait3A_495 = tpu.memref_squeeze %dma_wait3A_494 : memref<1x128xi32, #tpu.memory_space<hbm>> -> memref<128xi32, #tpu.memory_space<hbm>>
        %dma_wait3A_496 = arith.constant 0 : i32
        %dma_wait3A_497 = tpu.memref_slice %arg2[%dma_wait3A_492, %dma_wait3A_496] : memref<26x16384xi32, #tpu.memory_space<hbm>> -> memref<1x128xi32, #tpu.memory_space<hbm>>
        %dma_wait3A_498 = tpu.memref_squeeze %dma_wait3A_497 : memref<1x128xi32, #tpu.memory_space<hbm>> -> memref<128xi32, #tpu.memory_space<hbm>>
        tpu.wait_dma2 semaphore(%arg13 : memref<!tpu.dma_semaphore, #tpu.memory_space<semaphore_mem>>) src(%dma_wait3A_498 : memref<128xi32, #tpu.memory_space<hbm>>) dst(%arg5 : memref<128xi32, #tpu.memory_space<vmem>>)
        %get3A_499 = arith.constant 0 : index
        %get3A_500 = tpu.vector_load %arg5[%get3A_499] {strides = array<i32>} : memref<128xi32, #tpu.memory_space<vmem>>, vector<16xi32>,
        %shift_right_arithmetic3A_501 = arith.constant 1 : i32
        %shift_right_arithmetic3A_502 = vector.broadcast %shift_right_arithmetic3A_501 : i32 to vector<16xi32>
        %shift_right_arithmetic3A_503 = arith.shrsi %get3A_500, %shift_right_arithmetic3A_502 : vector<16xi32>
        %swap3A_504 = arith.constant 0 : index
        %swap3A_505 = tpu.vector_load %arg7[%swap3A_504] {strides = array<i32>} : memref<128xi32, #tpu.memory_space<vmem>>, vector<16xi32>,
        tpu.vector_store %arg7[%swap3A_504], %shift_right_arithmetic3A_503 {strides = array<i32>} : memref<128xi32, #tpu.memory_space<vmem>>, vector<16xi32>,
        %get3A_506 = arith.constant 16 : index
        %get3A_507 = tpu.vector_load %arg5[%get3A_506] {strides = array<i32>} : memref<128xi32, #tpu.memory_space<vmem>>, vector<16xi32>,
        %shift_right_arithmetic3A_508 = arith.constant 1 : i32
        %shift_right_arithmetic3A_509 = vector.broadcast %shift_right_arithmetic3A_508 : i32 to vector<16xi32>
        %shift_right_arithmetic3A_510 = arith.shrsi %get3A_507, %shift_right_arithmetic3A_509 : vector<16xi32>
        %swap3A_511 = arith.constant 16 : index
        %swap3A_512 = tpu.vector_load %arg7[%swap3A_511] {strides = array<i32>} : memref<128xi32, #tpu.memory_space<vmem>>, vector<16xi32>,
        tpu.vector_store %arg7[%swap3A_511], %shift_right_arithmetic3A_510 {strides = array<i32>} : memref<128xi32, #tpu.memory_space<vmem>>, vector<16xi32>,
        %get3A_513 = arith.constant 32 : index
        %get3A_514 = tpu.vector_load %arg5[%get3A_513] {strides = array<i32>} : memref<128xi32, #tpu.memory_space<vmem>>, vector<16xi32>,
        %shift_right_arithmetic3A_515 = arith.constant 1 : i32
        %shift_right_arithmetic3A_516 = vector.broadcast %shift_right_arithmetic3A_515 : i32 to vector<16xi32>
        %shift_right_arithmetic3A_517 = arith.shrsi %get3A_514, %shift_right_arithmetic3A_516 : vector<16xi32>
        %swap3A_518 = arith.constant 32 : index
        %swap3A_519 = tpu.vector_load %arg7[%swap3A_518] {strides = array<i32>} : memref<128xi32, #tpu.memory_space<vmem>>, vector<16xi32>,
        tpu.vector_store %arg7[%swap3A_518], %shift_right_arithmetic3A_517 {strides = array<i32>} : memref<128xi32, #tpu.memory_space<vmem>>, vector<16xi32>,
        %get3A_520 = arith.constant 48 : index
        %get3A_521 = tpu.vector_load %arg5[%get3A_520] {strides = array<i32>} : memref<128xi32, #tpu.memory_space<vmem>>, vector<16xi32>,
        %shift_right_arithmetic3A_522 = arith.constant 1 : i32
        %shift_right_arithmetic3A_523 = vector.broadcast %shift_right_arithmetic3A_522 : i32 to vector<16xi32>
        %shift_right_arithmetic3A_524 = arith.shrsi %get3A_521, %shift_right_arithmetic3A_523 : vector<16xi32>
        %swap3A_525 = arith.constant 48 : index
        %swap3A_526 = tpu.vector_load %arg7[%swap3A_525] {strides = array<i32>} : memref<128xi32, #tpu.memory_space<vmem>>, vector<16xi32>,
        tpu.vector_store %arg7[%swap3A_525], %shift_right_arithmetic3A_524 {strides = array<i32>} : memref<128xi32, #tpu.memory_space<vmem>>, vector<16xi32>,
        %get3A_527 = arith.constant 64 : index
        %get3A_528 = tpu.vector_load %arg5[%get3A_527] {strides = array<i32>} : memref<128xi32, #tpu.memory_space<vmem>>, vector<16xi32>,
        %shift_right_arithmetic3A_529 = arith.constant 1 : i32
        %shift_right_arithmetic3A_530 = vector.broadcast %shift_right_arithmetic3A_529 : i32 to vector<16xi32>
        %shift_right_arithmetic3A_531 = arith.shrsi %get3A_528, %shift_right_arithmetic3A_530 : vector<16xi32>
        %swap3A_532 = arith.constant 64 : index
        %swap3A_533 = tpu.vector_load %arg7[%swap3A_532] {strides = array<i32>} : memref<128xi32, #tpu.memory_space<vmem>>, vector<16xi32>,
        tpu.vector_store %arg7[%swap3A_532], %shift_right_arithmetic3A_531 {strides = array<i32>} : memref<128xi32, #tpu.memory_space<vmem>>, vector<16xi32>,
        %get3A_534 = arith.constant 80 : index
        %get3A_535 = tpu.vector_load %arg5[%get3A_534] {strides = array<i32>} : memref<128xi32, #tpu.memory_space<vmem>>, vector<16xi32>,
        %shift_right_arithmetic3A_536 = arith.constant 1 : i32
        %shift_right_arithmetic3A_537 = vector.broadcast %shift_right_arithmetic3A_536 : i32 to vector<16xi32>
        %shift_right_arithmetic3A_538 = arith.shrsi %get3A_535, %shift_right_arithmetic3A_537 : vector<16xi32>
        %swap3A_539 = arith.constant 80 : index
        %swap3A_540 = tpu.vector_load %arg7[%swap3A_539] {strides = array<i32>} : memref<128xi32, #tpu.memory_space<vmem>>, vector<16xi32>,
        tpu.vector_store %arg7[%swap3A_539], %shift_right_arithmetic3A_538 {strides = array<i32>} : memref<128xi32, #tpu.memory_space<vmem>>, vector<16xi32>,
        %get3A_541 = arith.constant 96 : index
        %get3A_542 = tpu.vector_load %arg5[%get3A_541] {strides = array<i32>} : memref<128xi32, #tpu.memory_space<vmem>>, vector<16xi32>,
        %shift_right_arithmetic3A_543 = arith.constant 1 : i32
        %shift_right_arithmetic3A_544 = vector.broadcast %shift_right_arithmetic3A_543 : i32 to vector<16xi32>
        %shift_right_arithmetic3A_545 = arith.shrsi %get3A_542, %shift_right_arithmetic3A_544 : vector<16xi32>
        %swap3A_546 = arith.constant 96 : index
        %swap3A_547 = tpu.vector_load %arg7[%swap3A_546] {strides = array<i32>} : memref<128xi32, #tpu.memory_space<vmem>>, vector<16xi32>,
        tpu.vector_store %arg7[%swap3A_546], %shift_right_arithmetic3A_545 {strides = array<i32>} : memref<128xi32, #tpu.memory_space<vmem>>, vector<16xi32>,
        %get3A_548 = arith.constant 112 : index
        %get3A_549 = tpu.vector_load %arg5[%get3A_548] {strides = array<i32>} : memref<128xi32, #tpu.memory_space<vmem>>, vector<16xi32>,
        %shift_right_arithmetic3A_550 = arith.constant 1 : i32
        %shift_right_arithmetic3A_551 = vector.broadcast %shift_right_arithmetic3A_550 : i32 to vector<16xi32>
        %shift_right_arithmetic3A_552 = arith.shrsi %get3A_549, %shift_right_arithmetic3A_551 : vector<16xi32>
        %swap3A_553 = arith.constant 112 : index
        %swap3A_554 = tpu.vector_load %arg7[%swap3A_553] {strides = array<i32>} : memref<128xi32, #tpu.memory_space<vmem>>, vector<16xi32>,
        tpu.vector_store %arg7[%swap3A_553], %shift_right_arithmetic3A_552 {strides = array<i32>} : memref<128xi32, #tpu.memory_space<vmem>>, vector<16xi32>,
        %dma_start3A_555 = arith.constant 0 : i32
        %dma_start3A_556 = arith.constant 0 : i32
        %dma_start3A_557 = tpu.memref_slice %arg9[%dma_start3A_555, %dma_start3A_556] : memref<128x129xf32, #tpu.memory_space<vmem>> -> memref<128x128xf32, #tpu.memory_space<vmem>>
        %dma_start3A_558 = arith.constant 0 : i32
        %dma_start3A_559 = arith.constant 0 : i32
        %dma_start3A_560 = tpu.memref_slice %arg3[%dma_start3A_558, %dma_start3A_559] : memref<500000x128xf32, #tpu.memory_space<hbm>> -> memref<500000x128xf32, #tpu.memory_space<hbm>>
        tpu.enqueue_indirect_dma source(%dma_start3A_560 : memref<500000x128xf32, #tpu.memory_space<hbm>>) target(%dma_start3A_557 : memref<128x128xf32, #tpu.memory_space<vmem>>) offsets(%arg7 : memref<128xi32, #tpu.memory_space<vmem>>) semaphore(%arg15 : memref<!tpu.dma_semaphore, #tpu.memory_space<semaphore_mem>>)
      } else {
      }
      %get3A_407 = arith.constant 0 : index
      %get3A_408 = tpu.vector_load %arg6[%get3A_407] {strides = array<i32>} : memref<128xi32, #tpu.memory_space<vmem>>, vector<16xi32>,
      %and3A_409 = arith.constant 1 : i32
      %and3A_410 = vector.broadcast %and3A_409 : i32 to vector<16xi32>
      %and3A_411 = arith.andi %get3A_408, %and3A_410 : vector<16xi32>
      %shift_left3A_412 = arith.constant 6 : i32
      %shift_left3A_413 = vector.broadcast %shift_left3A_412 : i32 to vector<16xi32>
      %shift_left3A_414 = arith.shli %and3A_411, %shift_left3A_413 : vector<16xi32>
      %get3A_415 = arith.constant 16 : index
      %get3A_416 = tpu.vector_load %arg6[%get3A_415] {strides = array<i32>} : memref<128xi32, #tpu.memory_space<vmem>>, vector<16xi32>,
      %and3A_417 = arith.constant 1 : i32
      %and3A_418 = vector.broadcast %and3A_417 : i32 to vector<16xi32>
      %and3A_419 = arith.andi %get3A_416, %and3A_418 : vector<16xi32>
      %shift_left3A_420 = arith.constant 6 : i32
      %shift_left3A_421 = vector.broadcast %shift_left3A_420 : i32 to vector<16xi32>
      %shift_left3A_422 = arith.shli %and3A_419, %shift_left3A_421 : vector<16xi32>
      %get3A_423 = arith.constant 32 : index
      %get3A_424 = tpu.vector_load %arg6[%get3A_423] {strides = array<i32>} : memref<128xi32, #tpu.memory_space<vmem>>, vector<16xi32>,
      %and3A_425 = arith.constant 1 : i32
      %and3A_426 = vector.broadcast %and3A_425 : i32 to vector<16xi32>
      %and3A_427 = arith.andi %get3A_424, %and3A_426 : vector<16xi32>
      %shift_left3A_428 = arith.constant 6 : i32
      %shift_left3A_429 = vector.broadcast %shift_left3A_428 : i32 to vector<16xi32>
      %shift_left3A_430 = arith.shli %and3A_427, %shift_left3A_429 : vector<16xi32>
      %get3A_431 = arith.constant 48 : index
      %get3A_432 = tpu.vector_load %arg6[%get3A_431] {strides = array<i32>} : memref<128xi32, #tpu.memory_space<vmem>>, vector<16xi32>,
      %and3A_433 = arith.constant 1 : i32
      %and3A_434 = vector.broadcast %and3A_433 : i32 to vector<16xi32>
      %and3A_435 = arith.andi %get3A_432, %and3A_434 : vector<16xi32>
      %shift_left3A_436 = arith.constant 6 : i32
      %shift_left3A_437 = vector.broadcast %shift_left3A_436 : i32 to vector<16xi32>
      %shift_left3A_438 = arith.shli %and3A_435, %shift_left3A_437 : vector<16xi32>
      %get3A_439 = arith.constant 64 : index
      %get3A_440 = tpu.vector_load %arg6[%get3A_439] {strides = array<i32>} : memref<128xi32, #tpu.memory_space<vmem>>, vector<16xi32>,
      %and3A_441 = arith.constant 1 : i32
      %and3A_442 = vector.broadcast %and3A_441 : i32 to vector<16xi32>
      %and3A_443 = arith.andi %get3A_440, %and3A_442 : vector<16xi32>
      %shift_left3A_444 = arith.constant 6 : i32
      %shift_left3A_445 = vector.broadcast %shift_left3A_444 : i32 to vector<16xi32>
      %shift_left3A_446 = arith.shli %and3A_443, %shift_left3A_445 : vector<16xi32>
      %get3A_447 = arith.constant 80 : index
      %get3A_448 = tpu.vector_load %arg6[%get3A_447] {strides = array<i32>} : memref<128xi32, #tpu.memory_space<vmem>>, vector<16xi32>,
      %and3A_449 = arith.constant 1 : i32
      %and3A_450 = vector.broadcast %and3A_449 : i32 to vector<16xi32>
      %and3A_451 = arith.andi %get3A_448, %and3A_450 : vector<16xi32>
      %shift_left3A_452 = arith.constant 6 : i32
      %shift_left3A_453 = vector.broadcast %shift_left3A_452 : i32 to vector<16xi32>
      %shift_left3A_454 = arith.shli %and3A_451, %shift_left3A_453 : vector<16xi32>
      %get3A_455 = arith.constant 96 : index
      %get3A_456 = tpu.vector_load %arg6[%get3A_455] {strides = array<i32>} : memref<128xi32, #tpu.memory_space<vmem>>, vector<16xi32>,
      %and3A_457 = arith.constant 1 : i32
      %and3A_458 = vector.broadcast %and3A_457 : i32 to vector<16xi32>
      %and3A_459 = arith.andi %get3A_456, %and3A_458 : vector<16xi32>
      %shift_left3A_460 = arith.constant 6 : i32
      %shift_left3A_461 = vector.broadcast %shift_left3A_460 : i32 to vector<16xi32>
      %shift_left3A_462 = arith.shli %and3A_459, %shift_left3A_461 : vector<16xi32>
      %get3A_463 = arith.constant 112 : index
      %get3A_464 = tpu.vector_load %arg6[%get3A_463] {strides = array<i32>} : memref<128xi32, #tpu.memory_space<vmem>>, vector<16xi32>,
      %and3A_465 = arith.constant 1 : i32
      %and3A_466 = vector.broadcast %and3A_465 : i32 to vector<16xi32>
      %and3A_467 = arith.andi %get3A_464, %and3A_466 : vector<16xi32>
      %shift_left3A_468 = arith.constant 6 : i32
      %shift_left3A_469 = vector.broadcast %shift_left3A_468 : i32 to vector<16xi32>
      %shift_left3A_470 = arith.shli %and3A_467, %shift_left3A_469 : vector<16xi32>
      %ge3A_471 = arith.constant 2 : i32
      %ge3A_472 = arith.cmpi sge, %add3A_346, %ge3A_471 : i32
      %convert_element_type3A_473 = arith.extui %ge3A_472 : i1 to i32
      %cond3A_474 = arith.constant 0 : i32
      %cond3A_475 = arith.cmpi ne, %convert_element_type3A_473, %cond3A_474 : i32
      scf.if %cond3A_475 {
        %dma_wait3A_492 = arith.constant 0 : i32
        %dma_wait3A_493 = arith.constant 0 : i32
        %dma_wait3A_494 = arith.constant 0 : i32
        %dma_wait3A_495 = tpu.memref_slice %arg4[%dma_wait3A_492, %dma_wait3A_493, %dma_wait3A_494] : memref<26x64x16384xf32, #tpu.memory_space<hbm>> -> memref<1x64x128xf32, #tpu.memory_space<hbm>>
        %dma_wait3A_496 = tpu.memref_squeeze %dma_wait3A_495 : memref<1x64x128xf32, #tpu.memory_space<hbm>> -> memref<64x128xf32, #tpu.memory_space<hbm>>
        %dma_wait3A_497 = arith.constant 0 : i32
        %dma_wait3A_498 = arith.constant 0 : i32
        %dma_wait3A_499 = tpu.memref_slice %arg4[%dma_wait3A_492, %dma_wait3A_497, %dma_wait3A_498] : memref<26x64x16384xf32, #tpu.memory_space<hbm>> -> memref<1x64x128xf32, #tpu.memory_space<hbm>>
        %dma_wait3A_500 = tpu.memref_squeeze %dma_wait3A_499 : memref<1x64x128xf32, #tpu.memory_space<hbm>> -> memref<64x128xf32, #tpu.memory_space<hbm>>
        tpu.wait_dma2 semaphore(%arg18 : memref<!tpu.dma_semaphore, #tpu.memory_space<semaphore_mem>>) src(%arg12 : memref<64x128xf32, #tpu.memory_space<vmem>>) dst(%dma_wait3A_500 : memref<64x128xf32, #tpu.memory_space<hbm>>)
      } else {
      }
      %parallel_loop3A_476 = arith.constant 0 : i32
      %parallel_loop3A_477 = arith.constant 64 : i32
      %parallel_loop3A_478 = arith.constant 1 : i32
      scf.for %parallel_loop3A_492 = %parallel_loop3A_476 to %parallel_loop3A_477 step %parallel_loop3A_478  : i32 {
        %parallel_loop3A_493 = vector.broadcast %parallel_loop3A_492 : i32 to vector<16xi32>
        %parallel_loop3A_494 = arith.addi %shift_left3A_414, %parallel_loop3A_493 : vector<16xi32>
        %parallel_loop3A_495 = tpu.vector_load_idx %arg10[%add3A_3, %parallel_loop3A_494] : memref<128x129xf32, #tpu.memory_space<vmem>>[vector<16xi32>, vector<16xi32>], vector<16xf32>,
        %parallel_loop3A_496 = arith.index_cast %parallel_loop3A_492 : i32 to index
        %parallel_loop3A_497 = arith.constant 0 : index
        %parallel_loop3A_498 = tpu.vector_load %arg12[%parallel_loop3A_496, %parallel_loop3A_497] {strides = array<i32>} : memref<64x128xf32, #tpu.memory_space<vmem>>, vector<16xf32>,
        tpu.vector_store %arg12[%parallel_loop3A_496, %parallel_loop3A_497], %parallel_loop3A_495 {strides = array<i32>} : memref<64x128xf32, #tpu.memory_space<vmem>>, vector<16xf32>,
        %parallel_loop3A_499 = vector.broadcast %parallel_loop3A_492 : i32 to vector<16xi32>
        %parallel_loop3A_500 = arith.addi %shift_left3A_422, %parallel_loop3A_499 : vector<16xi32>
        %parallel_loop3A_501 = tpu.vector_load_idx %arg10[%add3A_6, %parallel_loop3A_500] : memref<128x129xf32, #tpu.memory_space<vmem>>[vector<16xi32>, vector<16xi32>], vector<16xf32>,
        %parallel_loop3A_502 = arith.index_cast %parallel_loop3A_492 : i32 to index
        %parallel_loop3A_503 = arith.constant 16 : index
        %parallel_loop3A_504 = tpu.vector_load %arg12[%parallel_loop3A_502, %parallel_loop3A_503] {strides = array<i32>} : memref<64x128xf32, #tpu.memory_space<vmem>>, vector<16xf32>,
        tpu.vector_store %arg12[%parallel_loop3A_502, %parallel_loop3A_503], %parallel_loop3A_501 {strides = array<i32>} : memref<64x128xf32, #tpu.memory_space<vmem>>, vector<16xf32>,
        %parallel_loop3A_505 = vector.broadcast %parallel_loop3A_492 : i32 to vector<16xi32>
        %parallel_loop3A_506 = arith.addi %shift_left3A_430, %parallel_loop3A_505 : vector<16xi32>
        %parallel_loop3A_507 = tpu.vector_load_idx %arg10[%add3A_9, %parallel_loop3A_506] : memref<128x129xf32, #tpu.memory_space<vmem>>[vector<16xi32>, vector<16xi32>], vector<16xf32>,
        %parallel_loop3A_508 = arith.index_cast %parallel_loop3A_492 : i32 to index
        %parallel_loop3A_509 = arith.constant 32 : index
        %parallel_loop3A_510 = tpu.vector_load %arg12[%parallel_loop3A_508, %parallel_loop3A_509] {strides = array<i32>} : memref<64x128xf32, #tpu.memory_space<vmem>>, vector<16xf32>,
        tpu.vector_store %arg12[%parallel_loop3A_508, %parallel_loop3A_509], %parallel_loop3A_507 {strides = array<i32>} : memref<64x128xf32, #tpu.memory_space<vmem>>, vector<16xf32>,
        %parallel_loop3A_511 = vector.broadcast %parallel_loop3A_492 : i32 to vector<16xi32>
        %parallel_loop3A_512 = arith.addi %shift_left3A_438, %parallel_loop3A_511 : vector<16xi32>
        %parallel_loop3A_513 = tpu.vector_load_idx %arg10[%add3A_12, %parallel_loop3A_512] : memref<128x129xf32, #tpu.memory_space<vmem>>[vector<16xi32>, vector<16xi32>], vector<16xf32>,
        %parallel_loop3A_514 = arith.index_cast %parallel_loop3A_492 : i32 to index
        %parallel_loop3A_515 = arith.constant 48 : index
        %parallel_loop3A_516 = tpu.vector_load %arg12[%parallel_loop3A_514, %parallel_loop3A_515] {strides = array<i32>} : memref<64x128xf32, #tpu.memory_space<vmem>>, vector<16xf32>,
        tpu.vector_store %arg12[%parallel_loop3A_514, %parallel_loop3A_515], %parallel_loop3A_513 {strides = array<i32>} : memref<64x128xf32, #tpu.memory_space<vmem>>, vector<16xf32>,
        %parallel_loop3A_517 = vector.broadcast %parallel_loop3A_492 : i32 to vector<16xi32>
        %parallel_loop3A_518 = arith.addi %shift_left3A_446, %parallel_loop3A_517 : vector<16xi32>
        %parallel_loop3A_519 = tpu.vector_load_idx %arg10[%add3A_15, %parallel_loop3A_518] : memref<128x129xf32, #tpu.memory_space<vmem>>[vector<16xi32>, vector<16xi32>], vector<16xf32>,
        %parallel_loop3A_520 = arith.index_cast %parallel_loop3A_492 : i32 to index
        %parallel_loop3A_521 = arith.constant 64 : index
        %parallel_loop3A_522 = tpu.vector_load %arg12[%parallel_loop3A_520, %parallel_loop3A_521] {strides = array<i32>} : memref<64x128xf32, #tpu.memory_space<vmem>>, vector<16xf32>,
        tpu.vector_store %arg12[%parallel_loop3A_520, %parallel_loop3A_521], %parallel_loop3A_519 {strides = array<i32>} : memref<64x128xf32, #tpu.memory_space<vmem>>, vector<16xf32>,
        %parallel_loop3A_523 = vector.broadcast %parallel_loop3A_492 : i32 to vector<16xi32>
        %parallel_loop3A_524 = arith.addi %shift_left3A_454, %parallel_loop3A_523 : vector<16xi32>
        %parallel_loop3A_525 = tpu.vector_load_idx %arg10[%add3A_18, %parallel_loop3A_524] : memref<128x129xf32, #tpu.memory_space<vmem>>[vector<16xi32>, vector<16xi32>], vector<16xf32>,
        %parallel_loop3A_526 = arith.index_cast %parallel_loop3A_492 : i32 to index
        %parallel_loop3A_527 = arith.constant 80 : index
        %parallel_loop3A_528 = tpu.vector_load %arg12[%parallel_loop3A_526, %parallel_loop3A_527] {strides = array<i32>} : memref<64x128xf32, #tpu.memory_space<vmem>>, vector<16xf32>,
        tpu.vector_store %arg12[%parallel_loop3A_526, %parallel_loop3A_527], %parallel_loop3A_525 {strides = array<i32>} : memref<64x128xf32, #tpu.memory_space<vmem>>, vector<16xf32>,
        %parallel_loop3A_529 = vector.broadcast %parallel_loop3A_492 : i32 to vector<16xi32>
        %parallel_loop3A_530 = arith.addi %shift_left3A_462, %parallel_loop3A_529 : vector<16xi32>
        %parallel_loop3A_531 = tpu.vector_load_idx %arg10[%add3A_21, %parallel_loop3A_530] : memref<128x129xf32, #tpu.memory_space<vmem>>[vector<16xi32>, vector<16xi32>], vector<16xf32>,
        %parallel_loop3A_532 = arith.index_cast %parallel_loop3A_492 : i32 to index
        %parallel_loop3A_533 = arith.constant 96 : index
        %parallel_loop3A_534 = tpu.vector_load %arg12[%parallel_loop3A_532, %parallel_loop3A_533] {strides = array<i32>} : memref<64x128xf32, #tpu.memory_space<vmem>>, vector<16xf32>,
        tpu.vector_store %arg12[%parallel_loop3A_532, %parallel_loop3A_533], %parallel_loop3A_531 {strides = array<i32>} : memref<64x128xf32, #tpu.memory_space<vmem>>, vector<16xf32>,
        %parallel_loop3A_535 = vector.broadcast %parallel_loop3A_492 : i32 to vector<16xi32>
        %parallel_loop3A_536 = arith.addi %shift_left3A_470, %parallel_loop3A_535 : vector<16xi32>
        %parallel_loop3A_537 = tpu.vector_load_idx %arg10[%add3A_24, %parallel_loop3A_536] : memref<128x129xf32, #tpu.memory_space<vmem>>[vector<16xi32>, vector<16xi32>], vector<16xf32>,
        %parallel_loop3A_538 = arith.index_cast %parallel_loop3A_492 : i32 to index
        %parallel_loop3A_539 = arith.constant 112 : index
        %parallel_loop3A_540 = tpu.vector_load %arg12[%parallel_loop3A_538, %parallel_loop3A_539] {strides = array<i32>} : memref<64x128xf32, #tpu.memory_space<vmem>>, vector<16xf32>,
        tpu.vector_store %arg12[%parallel_loop3A_538, %parallel_loop3A_539], %parallel_loop3A_537 {strides = array<i32>} : memref<64x128xf32, #tpu.memory_space<vmem>>, vector<16xf32>,
      } {sc.loop_unroll_factor = 2 : i64, sc.parallel_access}
      %dma_start3A_479 = arith.constant 0 : i32
      %dma_start3A_480 = tpu.memref_slice %arg4[%select_n3A_373, %dma_start3A_479, %mul3A_391] : memref<26x64x16384xf32, #tpu.memory_space<hbm>> -> memref<1x64x128xf32, #tpu.memory_space<hbm>>
      %dma_start3A_481 = tpu.memref_squeeze %dma_start3A_480 : memref<1x64x128xf32, #tpu.memory_space<hbm>> -> memref<64x128xf32, #tpu.memory_space<hbm>>
      %dma_start3A_482 = arith.constant 0 : i32
      %dma_start3A_483 = tpu.memref_slice %arg4[%select_n3A_373, %dma_start3A_482, %mul3A_391] : memref<26x64x16384xf32, #tpu.memory_space<hbm>> -> memref<1x64x128xf32, #tpu.memory_space<hbm>>
      %dma_start3A_484 = tpu.memref_squeeze %dma_start3A_483 : memref<1x64x128xf32, #tpu.memory_space<hbm>> -> memref<64x128xf32, #tpu.memory_space<hbm>>
      tpu.enqueue_dma source(%arg12 : memref<64x128xf32, #tpu.memory_space<vmem>>) target(%dma_start3A_484 : memref<64x128xf32, #tpu.memory_space<hbm>>) target_semaphore(%arg18 : memref<!tpu.dma_semaphore, #tpu.memory_space<semaphore_mem>>)
      %add3A_485 = arith.constant 2 : i32
      %add3A_486 = arith.addi %add3A_346, %add3A_485 : i32
      %lt3A_487 = arith.constant 104 : i32
      %lt3A_488 = arith.cmpi slt, %add3A_486, %lt3A_487 : i32
      %convert_element_type3A_489 = arith.extui %lt3A_488 : i1 to i32
      %cond3A_490 = arith.constant 0 : i32
      %cond3A_491 = arith.cmpi ne, %convert_element_type3A_489, %cond3A_490 : i32
      scf.if %cond3A_491 {
        %mul3A_492 = arith.constant 32 : i32
        %mul3A_493 = arith.muli %add3A_486, %mul3A_492 : i32
        %add3A_494 = arith.addi %mul3A_493, %add3A : i32
        %jit3A_495 = arith.constant 128 : i32
        %div3A_496 = arith.divsi %add3A_494, %jit3A_495 : i32
        %sign3A_497 = arith.constant 0 : i32
        %sign3A_498 = arith.cmpi sgt, %add3A_494, %sign3A_497 : i32
        %sign3A_499 = arith.extui %sign3A_498 : i1 to i32
        %sign3A_500 = arith.constant 0 : i32
        %sign3A_501 = arith.cmpi slt, %add3A_494, %sign3A_500 : i32
        %sign3A_502 = arith.extui %sign3A_501 : i1 to i32
        %sign3A_503 = arith.subi %sign3A_499, %sign3A_502 : i32
        %sign3A_504 = arith.constant 0 : i32
        %sign3A_505 = arith.cmpi sgt, %jit3A_495, %sign3A_504 : i32
        %sign3A_506 = arith.extui %sign3A_505 : i1 to i32
        %sign3A_507 = arith.constant 0 : i32
        %sign3A_508 = arith.cmpi slt, %jit3A_495, %sign3A_507 : i32
        %sign3A_509 = arith.extui %sign3A_508 : i1 to i32
        %sign3A_510 = arith.subi %sign3A_506, %sign3A_509 : i32
        %ne3A_511 = arith.cmpi ne, %sign3A_503, %sign3A_510 : i32
        %rem3A_512 = arith.remsi %add3A_494, %jit3A_495 : i32
        %ne3A_513 = arith.constant 0 : i32
        %ne3A_514 = arith.cmpi ne, %rem3A_512, %ne3A_513 : i32
        %and3A_515 = arith.andi %ne3A_511, %ne3A_514 : i1
        %sub3A_516 = arith.constant 1 : i32
        %sub3A_517 = arith.subi %div3A_496, %sub3A_516 : i32
        %select_n3A_518 = arith.select %and3A_515, %sub3A_517, %div3A_496 : i32
        %jit3A_519 = arith.constant 128 : i32
        %eq3A_520 = arith.constant 0 : i32
        %eq3A_521 = arith.cmpi eq, %jit3A_519, %eq3A_520 : i32
        %jit3A_522 = arith.constant 1 : i32
        %select_n3A_523 = arith.select %eq3A_521, %jit3A_522, %jit3A_519 : i32
        %rem3A_524 = arith.remsi %add3A_494, %select_n3A_523 : i32
        %ne3A_525 = arith.constant 0 : i32
        %ne3A_526 = arith.cmpi ne, %rem3A_524, %ne3A_525 : i32
        %lt3A_527 = arith.constant 0 : i32
        %lt3A_528 = arith.cmpi slt, %rem3A_524, %lt3A_527 : i32
        %lt3A_529 = arith.constant 0 : i32
        %lt3A_530 = arith.cmpi slt, %select_n3A_523, %lt3A_529 : i32
        %ne3A_531 = arith.xori %lt3A_528, %lt3A_530 : i1
        %and3A_532 = arith.andi %ne3A_531, %ne3A_526 : i1
        %add3A_533 = arith.addi %rem3A_524, %select_n3A_523 : i32
        %select_n3A_534 = arith.select %and3A_532, %add3A_533, %rem3A_524 : i32
        %mul3A_535 = arith.constant 128 : i32
        %mul3A_536 = arith.muli %select_n3A_534, %mul3A_535 : i32
        %dma_start3A_537 = tpu.memref_slice %arg2[%select_n3A_518, %mul3A_536] : memref<26x16384xi32, #tpu.memory_space<hbm>> -> memref<1x128xi32, #tpu.memory_space<hbm>>
        %dma_start3A_538 = tpu.memref_squeeze %dma_start3A_537 : memref<1x128xi32, #tpu.memory_space<hbm>> -> memref<128xi32, #tpu.memory_space<hbm>>
        %dma_start3A_539 = tpu.memref_slice %arg2[%select_n3A_518, %mul3A_536] : memref<26x16384xi32, #tpu.memory_space<hbm>> -> memref<1x128xi32, #tpu.memory_space<hbm>>
        %dma_start3A_540 = tpu.memref_squeeze %dma_start3A_539 : memref<1x128xi32, #tpu.memory_space<hbm>> -> memref<128xi32, #tpu.memory_space<hbm>>
        tpu.enqueue_dma source(%dma_start3A_540 : memref<128xi32, #tpu.memory_space<hbm>>) target(%arg6 : memref<128xi32, #tpu.memory_space<vmem>>) target_semaphore(%arg14 : memref<!tpu.dma_semaphore, #tpu.memory_space<semaphore_mem>>)
      } else {
      }
    }
    %scan3A_179 = arith.constant 52 : i32
    %dma_wait3A_180 = arith.constant 0 : i32
    %dma_wait3A_181 = arith.constant 0 : i32
    %dma_wait3A_182 = arith.constant 0 : i32
    %dma_wait3A_183 = tpu.memref_slice %arg4[%dma_wait3A_180, %dma_wait3A_181, %dma_wait3A_182] : memref<26x64x16384xf32, #tpu.memory_space<hbm>> -> memref<1x64x128xf32, #tpu.memory_space<hbm>>
    %dma_wait3A_184 = tpu.memref_squeeze %dma_wait3A_183 : memref<1x64x128xf32, #tpu.memory_space<hbm>> -> memref<64x128xf32, #tpu.memory_space<hbm>>
    %dma_wait3A_185 = arith.constant 0 : i32
    %dma_wait3A_186 = arith.constant 0 : i32
    %dma_wait3A_187 = tpu.memref_slice %arg4[%dma_wait3A_180, %dma_wait3A_185, %dma_wait3A_186] : memref<26x64x16384xf32, #tpu.memory_space<hbm>> -> memref<1x64x128xf32, #tpu.memory_space<hbm>>
    %dma_wait3A_188 = tpu.memref_squeeze %dma_wait3A_187 : memref<1x64x128xf32, #tpu.memory_space<hbm>> -> memref<64x128xf32, #tpu.memory_space<hbm>>
    tpu.wait_dma2 semaphore(%arg17 : memref<!tpu.dma_semaphore, #tpu.memory_space<semaphore_mem>>) src(%arg11 : memref<64x128xf32, #tpu.memory_space<vmem>>) dst(%dma_wait3A_188 : memref<64x128xf32, #tpu.memory_space<hbm>>)
    %dma_wait3A_189 = arith.constant 0 : i32
    %dma_wait3A_190 = arith.constant 0 : i32
    %dma_wait3A_191 = arith.constant 0 : i32
    %dma_wait3A_192 = tpu.memref_slice %arg4[%dma_wait3A_189, %dma_wait3A_190, %dma_wait3A_191] : memref<26x64x16384xf32, #tpu.memory_space<hbm>> -> memref<1x64x128xf32, #tpu.memory_space<hbm>>
    %dma_wait3A_193 = tpu.memref_squeeze %dma_wait3A_192 : memref<1x64x128xf32, #tpu.memory_space<hbm>> -> memref<64x128xf32, #tpu.memory_space<hbm>>
    %dma_wait3A_194 = arith.constant 0 : i32
    %dma_wait3A_195 = arith.constant 0 : i32
    %dma_wait3A_196 = tpu.memref_slice %arg4[%dma_wait3A_189, %dma_wait3A_194, %dma_wait3A_195] : memref<26x64x16384xf32, #tpu.memory_space<hbm>> -> memref<1x64x128xf32, #tpu.memory_space<hbm>>
    %dma_wait3A_197 = tpu.memref_squeeze %dma_wait3A_196 : memref<1x64x128xf32, #tpu.memory_space<hbm>> -> memref<64x128xf32, #tpu.memory_space<hbm>>
    tpu.wait_dma2 semaphore(%arg18 : memref<!tpu.dma_semaphore, #tpu.memory_space<semaphore_mem>>) src(%arg12 : memref<64x128xf32, #tpu.memory_space<vmem>>) dst(%dma_wait3A_197 : memref<64x128xf32, #tpu.memory_space<hbm>>)
    return
  }
}

</mosaic_0001>

<sc_bundles>
// kernel: kernel.3.cloned.1.call-start
scs
__scs_entry_jumppad:
0x0: {  	(pc) =	sbr.rel $0x88, $3  }
0x1: {  	(tag) =	ssettag $0x0;
	lr =	simm.s32 $0x1  }
0x2: {  	[smem:$0x3F9F] =	sst lr;
	_ =	strace $0xD0000000  }
0x3: {  	_ = 	snop  }
0x4: {  	_ = 	snop  }
0x5: {  	_ = 	snop  }
0x6: {  	_ = 	snop  }
0x7: {  	_ = 	snop  }
__scs_overlays_trampoline_lowered:
0x8: {  	[smem:$0x3FAE] =	sst s0  }
0x9: {  	[smem:$0x3FAF] =	sst s1  }
0xa: {  	[smem:$0x3FB0] =	sst s2  }
0xb: {  	[smem:$0x3FB1] =	sst s3  }
0xc: {  	[smem:$0x3FB2] =	sst s4  }
0xd: {  	[smem:$0x3FB3] =	sst s5  }
0xe: {  	[smem:$0x3FB4] =	sst s6  }
0xf: {  	[smem:$0x3FB5] =	sst s7  }
0x10: {  	[smem:$0x3FB6] =	sst s8  }
0x11: {  	[smem:$0x3FB7] =	sst s9;
	s0 =	simm.s32 @!p0 $0x0  }
0x12: {  	s1 =	sld [smem:$0x3F9D];
	s0 =	simm.s32 @p0 $0x1  }
0x13: {  	[smem:$0x3FB8] =	sst s0;
	s0 =	simm.s32 @!p1 $0x0  }
0x14: {  	s2 =	sld [smem:$0x3F9C];
	s0 =	simm.s32 @p1 $0x1  }
0x15: {  	[smem:$0x3FB9] =	sst s0;
	s0 =	simm.s32 @!p2 $0x0  }
0x16: {  	s3 =	sld [smem:$0x3FDB];
	s0 =	simm.s32 @p2 $0x1  }
0x17: {  	s4 =	simm.s32 $0x1BF5;
	[smem:$0x3FBB] =	sst s0  }
0x18: {  	s0 =	sld [smem:$0x3F9E];
	_ =	swait.ge [sflag:s4], $0x0  }
0x19: {  	s7 =	sld [smem:$0x3F9F]  }
0x1a: {  	s8 =	sadd.s32 $0xFFFFE003, lr  }
0x1b: {  	s9 =	sadd.s32 $0xFFFFFEF7, lr;
	s5 =	simm.s32 $0xFFFFFFFF;
	p2 =	slt.u32 s8, $0xFFFFF086  }
0x1c: {  	p1 =	slt.u32 s9, $0xF7A;
	s5 =	simm.s32 @!p2 $0x0  }
0x1d: {  	s5 =	simm.s32 @p1 $0x1;
	p0 =	seq.s32 s7, s2  }
0x1e: {  	s7 =	smul.u32 @!p0 $0xF7A, s2;
	p2 =	seq.s32 @!p0 s5, $0x0  }
0x1f: {  	s9 =	smul.u32 $0xF7A, s1;
	s8 =	simm.s32 @!p0 $0x1BF5;
	p2 =	por !p2, p0  }
0x20: {  	[sflag:s8] =	ssyncset.s32 @!p0 $0xFFFFF086;
	s6 =	sadd.s32 @!p0 s3, s7;
	s7 =	simm.s32 @!p0 $0x108  }
0x21: {  	s3 =	sadd.s32 s3, s9;
	s6 =	sadd.s32 @!p0 $0x88, s6;
	s7 =	simm.s32 @p2 $0x1082  }
0x22: {  	[simem:s7], [sflag:s8] =	dma.local @!p0 [hbm:s6], $0xF7A  }
0x23: {  	s9 =	sor.u32 $0xD0000000, s2;
	s6 =	simm.s32 $0x108;
	_ =	swait.ge @!p0 [sflag:s8], $0x0  }
0x24: {  	s3 =	sadd.s32 $0x88, s3;
	s6 =	simm.s32 @!p1 $0x1082;
	[sflag:s4] =	ssyncset.s32 $0xFFFFF086  }
0x25: {  	[simem:s6], [sflag:s4] =	dma.local [hbm:s3], $0xF7A  }
0x26: {  	[smem:$0x3F9F] =	sst s1;
	(tag) =	ssettag s2;
	_ =	strace s9  }
0x27: {  	s1 =	sld [smem:$0x3FAF]  }
0x28: {  	s2 =	sld [smem:$0x3FB0]  }
0x29: {  	s4 =	sld [smem:$0x3FB2]  }
0x2a: {  	p0 =	seq.s32 s5, $0x0;
	s5 =	sld [smem:$0x3FB3]  }
0x2b: {  	s6 =	sld [smem:$0x3FB4]  }
0x2c: {  	s7 =	sld [smem:$0x3FB5]  }
0x2d: {  	s3 =	simm.s32 $0x108;
	s8 =	sld [smem:$0x3FB6]  }
0x2e: {  	s3 =	simm.s32 @!p0 $0x1082;
	s9 =	sld [smem:$0x3FB7]  }
0x2f: {  	lr =	sadd.s32 s0, s3;
	s0 =	sld [smem:$0x3FAE]  }
0x30: {  	s3 =	sld [smem:$0x3FB1]  }
0x31: {  	[smem:$0x3FBA] =	sst s10  }
0x32: {  	s10 =	sld [smem:$0x3FB8];
	_ =	sdelay $0x3  }
0x33: {  	p0 =	seq.s32 s10, $0x1;
	s10 =	sld [smem:$0x3FBA];
	_ =	sdelay $0x3  }
0x34: {  	[smem:$0x3FBA] =	sst s10  }
0x35: {  	s10 =	sld [smem:$0x3FB9];
	_ =	sdelay $0x3  }
0x36: {  	p1 =	seq.s32 s10, $0x1;
	s10 =	sld [smem:$0x3FBA];
	_ =	sdelay $0x3  }
0x37: {  	[smem:$0x3FBA] =	sst s10  }
0x38: {  	s10 =	sld [smem:$0x3FBB]  }
0x39: {  	_ = 	snop;
	(pc) =	sbr.ind lr, $3  }
0x3a: {  	_ = 	snop  }
0x3b: {  	_ = 	snop  }
0x3c: {  	p2 =	seq.s32 s10, $0x1;
	s10 =	sld [smem:$0x3FBA]  }
0x3d: {  	_ =	shalt  }
0x3e: {  	_ =	shalt  }
0x3f: {  	_ =	shalt  }
0x40: {  	_ =	shalt  }
0x41: {  	_ =	shalt  }
0x42: {  	_ =	shalt  }
0x43: {  	_ =	shalt  }
0x44: {  	_ =	shalt  }
0x45: {  	_ =	shalt  }
0x46: {  	_ =	shalt  }
0x47: {  	_ =	shalt  }
0x48: {  	_ =	shalt  }
0x49: {  	_ =	shalt  }
0x4a: {  	_ =	shalt  }
0x4b: {  	_ =	shalt  }
0x4c: {  	_ =	shalt  }
0x4d: {  	_ =	shalt  }
0x4e: {  	_ =	shalt  }
0x4f: {  	_ =	shalt  }
0x50: {  	_ =	shalt  }
0x51: {  	_ =	shalt  }
0x52: {  	_ =	shalt  }
0x53: {  	_ =	shalt  }
0x54: {  	_ =	shalt  }
0x55: {  	_ =	shalt  }
0x56: {  	_ =	shalt  }
0x57: {  	_ =	shalt  }
0x58: {  	_ =	shalt  }
0x59: {  	_ =	shalt  }
0x5a: {  	_ =	shalt  }
0x5b: {  	_ =	shalt  }
0x5c: {  	_ =	shalt  }
0x5d: {  	_ =	shalt  }
0x5e: {  	_ =	shalt  }
0x5f: {  	_ =	shalt  }
0x60: {  	_ =	shalt  }
0x61: {  	_ =	shalt  }
0x62: {  	_ =	shalt  }
0x63: {  	_ =	shalt  }
0x64: {  	_ =	shalt  }
0x65: {  	_ =	shalt  }
0x66: {  	_ =	shalt  }
0x67: {  	_ =	shalt  }
0x68: {  	_ =	shalt  }
0x69: {  	_ =	shalt  }
0x6a: {  	_ =	shalt  }
0x6b: {  	_ =	shalt  }
0x6c: {  	_ =	shalt  }
0x6d: {  	_ =	shalt  }
0x6e: {  	_ =	shalt  }
0x6f: {  	_ =	shalt  }
0x70: {  	_ =	shalt  }
0x71: {  	_ =	shalt  }
0x72: {  	_ =	shalt  }
0x73: {  	_ =	shalt  }
0x74: {  	_ =	shalt  }
0x75: {  	_ =	shalt  }
0x76: {  	_ =	shalt  }
0x77: {  	_ =	shalt  }
0x78: {  	_ =	shalt  }
0x79: {  	_ =	shalt  }
0x7a: {  	_ =	shalt  }
0x7b: {  	_ =	shalt  }
0x7c: {  	_ =	shalt  }
0x7d: {  	_ =	shalt  }
0x7e: {  	_ =	shalt  }
0x7f: {  	_ =	shalt  }
0x80: {  	_ =	shalt  }
0x81: {  	_ =	shalt  }
0x82: {  	_ =	shalt  }
0x83: {  	_ =	shalt  }
0x84: {  	_ =	shalt  }
0x85: {  	_ =	shalt  }
0x86: {  	_ =	shalt  }
0x87: {  	_ =	shalt  }
.Lfunc_end0:
.L_simem_size_0:
called_computation_lowered:
.L_overlay_start_0:
0x88: {  	s2 =	sld [smem:$0x3FD9]  }
0x89: {  	s3 =	sld [smem:$0x3FFE];
	_ =	sdelay $0x1  }
0x8a: {  	s1 =	srdreg.scid  }
0x8b: {  	s0 =	sand.u32 $0x1, s1  }
0x8c: {  	s17 =	sshll.u32 s0, $0xA;
	s2 =	sadd.s32 s3, s2  }
0x8d: {  	s2 =	sadd.s32 s2, s17  }
0x8e: {  	[smem:$0x3FC6] =	sst s2  }
0x8f: {  	_ = 	snop  }
0x90: {  	s2 =	sld [smem:$0x3FC9]  }
0x91: {  	s18 =	sld [smem:$0x3FD0];
	(tm) =	ssettm $0x1  }
0x92: {  	s4 =	sld [smem:$0x3FFB];
	_ =	sdelay $0x3  }
0x93: {  	_ =	strace s4  }
0x94: {  	s4 =	sld [smem:$0x3FFC];
	_ =	sdelay $0x3  }
0x95: {  	_ =	strace s4  }
0x96: {  	s4 =	sld [smem:$0x3FFD];
	_ =	sdelay $0x3  }
0x97: {  	_ =	strace s4  }
0x98: {  	_ =	strace $0x8FFFFFFF  }
0x99: {  	s19 =	sld [smem:$0x3FDB];
	_ =	sdelay $0x1  }
0x9a: {  	s5 =	simm.s32 $_scs_section_size  }
0x9b: {  	s6 =	simm.s32 $_size__tile_overlayer_lowered;
	s7 =	simm.s32 $_tile_overlayer_lowered  }
0x9c: {  	s22 =	simm.s32 $0x1BFF;
	s21 =	sshll.u32 s7, $0x1;
	s4 =	sadd.s32 s5, s19  }
0x9d: {  	s8 =	simm.s32 $0x0;
	s20 =	sshll.u32 s6, $0x1;
	s6 =	sadd.s32 s21, s4  }
0x9e: {  	[timem:s8], [sflag:s22] =	dma.local [hbm:s6], s20  }
0x9f: {  	_ =	swait.ge [sflag:s22], s20  }
0xa0: {  	s5 =	ssub.s32 $0x0, s20;
	[sflag:s22] =	ssyncset.done $0x0  }
0xa1: {  	[sflag:s22] =	ssyncadd.s32 s5;
	_ =	sdelay $0x1  }
0xa2: {  	s23 =	simm.s32 $0x1B8B  }
0xa3: {  	_ =	swait.ge [sflag:s23], $0x1  }
0xa4: {  	[sflag:s23] =	ssyncset.done $0x0  }
0xa5: {  	s25 =	simm.s32 $0x1B8E;
	s24 =	sld [smem:$0x3FFE];
	[sflag:s23] =	ssyncadd.s32 $0xFFFFFFFF  }
0xa6: {  	s26 =	simm.s32 $execute0_lowered;
	[smem:$0x3FD2] =	sst s25  }
0xa7: {  	s6 =	sshll.u32 s26, $0x1;
	_ =	strace $0x80000046;
	[dreg:$0x1] =	wrdreg $0xFFFFFFFF  }
0xa8: {  	s28 =	simm.s32 $_size_execute0_lowered;
	s4 =	sadd.s32 s4, s6;
	[dreg:$0x0] =	wrdreg $0x0  }
0xa9: {  	s6 =	sshll.u32 s28, $0x1;
	[dreg:$0x2] =	wrdreg s4  }
0xaa: {  	[dreg:$0x3] =	wrdreg s6  }
0xab: {  	[dreg:$0x4] =	wrdreg $0xC0  }
0xac: {  	_ =	task [dreg:s8], $0x5FFFF  }
0xad: {  	[dreg:$0x1] =	wrdreg $0xFFFFFFFF  }
0xae: {  	[dreg:$0x0] =	wrdreg $0x60  }
0xaf: {  	[dreg:$0x2] =	wrdreg s2  }
0xb0: {  	[dreg:$0x3] =	wrdreg s24  }
0xb1: {  	[dreg:$0x4] =	wrdreg s18  }
0xb2: {  	[dreg:$0x5] =	wrdreg $0x9  }
0xb3: {  	_ =	task.clear_ibuf [dreg:s8], $0x6FFFF;
	_ =	strace $0x90000046  }
0xb4: {  	s29 =	simm.s32 $0x9;
	_ =	strace $0x80000048  }
0xb5: {  	_ =	swait.ge [sflag:s29], $0x1  }
0xb6: {  	[sflag:s29] =	ssyncadd.s32 $0xFFFFFFFF  }
0xb7: {  	_ =	strace $0x90000048  }
0xb8: {  	_ =	sfence  }
0xb9: {  	s30 =	sld [smem:$0x0];
	_ =	sdelay $0x2  }
0xba: {  	s31 =	sshll.u32 s1, $0xD;
	s1 =	sshrl.u32 s1, $0x2  }
0xbb: {  	s3 =	sand.u32 $0x4000, s31;
	s1 =	sadd.s32 s1, s30  }
0xbc: {  	s0 =	sor.u32 s3, s0;
	s1 =	sshll.u32 s1, $0x11  }
0xbd: {  	s0 =	sor.u32 s1, s0  }
0xbe: {  	s0 =	sadd.s32 $0x8F2B, s0  }
0xbf: {  	[sflag:s0] =	ssyncadd.remote.s32 $0x1  }
0xc0: {  	_ =	sfence.sel $0xFFFF  }
0xc1: {  	[dreg:$0x0] =	wrdreg $0xFFFFFFFF;
	(pc) =	sbr.abs _section_cstart, $3  }
0xc2: {  	[dreg:$0x1] =	wrdreg $0xFFFFFFFF  }
0xc3: {  	_ =	task.clear_ibuf [dreg:s8], $0x2FFFF;
	_ =	strace $0x9FFFFFFF  }
0xc4: {  	(tm) =	ssettm $0x7FFFFFFF  }
0xc5: {  	_ =	shalt  }
tec
execute0_lowered:
.L_overlay_start_1:
0x0: {  	(tag) =	ssettag $0x1  }
0x1: {  	v2 =	vlaneseq.u32;
	vm0 =	vmmov $0xff  }
0x2: {  	v3 =	vimm.s32 $0xB80;
	vm15 =	vcmask $0x300;
	v4 =	vimm.s32 $0x1B80  }
0x3: {  	vm14 =	vcmask $0x704;
	vm13 =	vcmask $0xB08;
	vm12 =	vcmask $0xF0C  }
0x4: {  	vm11 =	vcmask $0x1310;
	vm10 =	vcmask $0x1714;
	vm9 =	vcmask $0x1B18  }
0x5: {  	vm8 =	vcmask $0x1F1C;
	vm7 =	vcmask $0x2320;
	vm6 =	vcmask $0x2724  }
0x6: {  	vm5 =	vcmask $0x2B28;
	vm4 =	vcmask $0x2F2C;
	vm3 =	vcmask $0x3330  }
0x7: {  	vm2 =	vcmask $0x3734;
	vm1 =	vcmask $0x3B38;
	v5 =	vimm.s32 $0x2B80  }
0x8: {  	v6 =	vimm.s32 $0x3B80;
	v7 =	vimm.s32 $0x4B80;
	v8 =	vimm.s32 $0x5B80  }
0x9: {  	v9 =	vimm.s32 $0x6B80;
	v10 =	vimm.s32 $0x7B80;
	v1 =	vshrl.u32 v2, $0x3  }
0xa: {  	v0 =	vand.u32 $0x7, v2;
	v3 =	vsel vm15, $0x0, v3;
	v4 =	vsel vm15, $0x1000, v4  }
0xb: {  	v2 =	vor.u32 $0x8, v2;
	v5 =	vsel vm15, $0x2000, v5;
	v6 =	vsel vm15, $0x3000, v6  }
0xc: {  	v7 =	vsel vm15, $0x4000, v7;
	v8 =	vsel vm15, $0x5000, v8;
	v9 =	vsel vm15, $0x6000, v9  }
0xd: {  	v10 =	vsel vm15, $0x7000, v10;
	v1 =	vmul.u32 $0x8, v1;
	v3 =	vsel vm14, $0x80, v3  }
0xe: {  	v4 =	vsel vm14, $0x1080, v4;
	v5 =	vsel vm14, $0x2080, v5;
	v6 =	vsel vm14, $0x3080, v6  }
0xf: {  	v7 =	vsel vm14, $0x4080, v7;
	v8 =	vsel vm14, $0x5080, v8;
	v9 =	vsel vm14, $0x6080, v9  }
0x10: {  	v10 =	vsel vm14, $0x7080, v10;
	v3 =	vsel vm13, $0x100, v3;
	v4 =	vsel vm13, $0x1100, v4  }
0x11: {  	v5 =	vsel vm13, $0x2100, v5;
	v6 =	vsel vm13, $0x3100, v6;
	v7 =	vsel vm13, $0x4100, v7  }
0x12: {  	v8 =	vsel vm13, $0x5100, v8;
	v9 =	vsel vm13, $0x6100, v9;
	v10 =	vsel vm13, $0x7100, v10  }
0x13: {  	v3 =	vsel vm12, $0x180, v3;
	v4 =	vsel vm12, $0x1180, v4;
	v5 =	vsel vm12, $0x2180, v5  }
0x14: {  	v6 =	vsel vm12, $0x3180, v6;
	v7 =	vsel vm12, $0x4180, v7;
	v8 =	vsel vm12, $0x5180, v8  }
0x15: {  	v9 =	vsel vm12, $0x6180, v9;
	v10 =	vsel vm12, $0x7180, v10;
	v3 =	vsel vm11, $0x200, v3  }
0x16: {  	v4 =	vsel vm11, $0x1200, v4;
	v5 =	vsel vm11, $0x2200, v5;
	v6 =	vsel vm11, $0x3200, v6  }
0x17: {  	v7 =	vsel vm11, $0x4200, v7;
	v8 =	vsel vm11, $0x5200, v8;
	v9 =	vsel vm11, $0x6200, v9  }
0x18: {  	v10 =	vsel vm11, $0x7200, v10;
	v3 =	vsel vm10, $0x280, v3;
	v4 =	vsel vm10, $0x1280, v4  }
0x19: {  	v5 =	vsel vm10, $0x2280, v5;
	v6 =	vsel vm10, $0x3280, v6;
	v7 =	vsel vm10, $0x4280, v7  }
0x1a: {  	v8 =	vsel vm10, $0x5280, v8;
	v9 =	vsel vm10, $0x6280, v9;
	v10 =	vsel vm10, $0x7280, v10  }
0x1b: {  	v3 =	vsel vm9, $0x300, v3;
	v4 =	vsel vm9, $0x1300, v4;
	v5 =	vsel vm9, $0x2300, v5  }
0x1c: {  	v6 =	vsel vm9, $0x3300, v6;
	v7 =	vsel vm9, $0x4300, v7;
	v8 =	vsel vm9, $0x5300, v8  }
0x1d: {  	v9 =	vsel vm9, $0x6300, v9;
	v10 =	vsel vm9, $0x7300, v10;
	v3 =	vsel vm8, $0x380, v3  }
0x1e: {  	v4 =	vsel vm8, $0x1380, v4;
	v5 =	vsel vm8, $0x2380, v5;
	v6 =	vsel vm8, $0x3380, v6  }
0x1f: {  	v7 =	vsel vm8, $0x4380, v7;
	v8 =	vsel vm8, $0x5380, v8;
	v9 =	vsel vm8, $0x6380, v9  }
0x20: {  	v10 =	vsel vm8, $0x7380, v10;
	v3 =	vsel vm7, $0x800, v3;
	v4 =	vsel vm7, $0x1800, v4  }
0x21: {  	v5 =	vsel vm7, $0x2800, v5;
	v6 =	vsel vm7, $0x3800, v6;
	v7 =	vsel vm7, $0x4800, v7  }
0x22: {  	v8 =	vsel vm7, $0x5800, v8;
	v9 =	vsel vm7, $0x6800, v9;
	v10 =	vsel vm7, $0x7800, v10  }
0x23: {  	v3 =	vsel vm6, $0x880, v3;
	v4 =	vsel vm6, $0x1880, v4;
	v5 =	vsel vm6, $0x2880, v5  }
0x24: {  	v6 =	vsel vm6, $0x3880, v6;
	v7 =	vsel vm6, $0x4880, v7;
	v8 =	vsel vm6, $0x5880, v8  }
0x25: {  	v9 =	vsel vm6, $0x6880, v9;
	v10 =	vsel vm6, $0x7880, v10;
	v3 =	vsel vm5, $0x900, v3  }
0x26: {  	v4 =	vsel vm5, $0x1900, v4;
	v5 =	vsel vm5, $0x2900, v5;
	v6 =	vsel vm5, $0x3900, v6  }
0x27: {  	s0 =	rddreg [dreg:$0x0];
	v7 =	vsel vm5, $0x4900, v7;
	v8 =	vsel vm5, $0x5900, v8;
	v9 =	vsel vm5, $0x6900, v9  }
0x28: {  	s1 =	rddreg [dreg:$0x1];
	v10 =	vsel vm5, $0x7900, v10;
	v3 =	vsel vm4, $0x980, v3;
	v4 =	vsel vm4, $0x1980, v4  }
0x29: {  	s2 =	srdreg.scid;
	s3 =	stileid.u32;
	v5 =	vsel vm4, $0x2980, v5;
	v6 =	vsel vm4, $0x3980, v6;
	v7 =	vsel vm4, $0x4980, v7  }
0x2a: {  	s4 =	simm.s32 $0x0;
	s12 =	simm.s32 $0x1;
	s13 =	simm.s32 $0x200;
	v8 =	vsel vm4, $0x5980, v8;
	v9 =	vsel vm4, $0x6980, v9;
	v10 =	vsel vm4, $0x7980, v10  }
0x2b: {  	s30 =	simm.s32 $0x3;
	s31 =	simm.s32 $0x2;
	s29 =	simm.s32 $0x4;
	v3 =	vsel vm3, $0xA00, v3;
	v4 =	vsel vm3, $0x1A00, v4;
	v5 =	vsel vm3, $0x2A00, v5  }
0x2c: {  	s2 =	sand.u32 $0x1, s2;
	s3 =	sshll.u32 s3, $0x1;
	[smem:$0x7FF] =	sst s4;
	v6 =	vsel vm3, $0x3A00, v6;
	v7 =	vsel vm3, $0x4A00, v7;
	v8 =	vsel vm3, $0x5A00, v8  }
0x2d: {  	s8 =	sadd.s32 $0xF42800, s1;
	s5 =	sor.u32 s2, s3;
	s2 =	ssub.s32 $0x2, s2;
	v9 =	vsel vm3, $0x6A00, v9;
	v10 =	vsel vm3, $0x7A00, v10;
	v3 =	vsel vm2, $0xA80, v3  }
.Ltmp0:
0x2e: {  	s6 =	sshll.u32 s5, $0x7;
	s25 =	sshrl.u32 s2, $0x1;
	v4 =	vsel vm2, $0x1A80, v4;
	v5 =	vsel vm2, $0x2A80, v5;
	v6 =	vsel vm2, $0x3A80, v6;
	(pc) =	sbr.rel .LBB2_1-.Ltmp0, $4  }
0x2f: {  	_ =	strace $0x80000047;
	s7 =	sadd.s32 s0, s6;
	s26 =	ssub.s32 s2, s25;
	v7 =	vsel vm2, $0x4A80, v7;
	v8 =	vsel vm2, $0x5A80, v8;
	v9 =	vsel vm2, $0x6A80, v9  }
0x30: {  	s2 =	simm.s32 $0x8200;
	[dreg:$0x4] =	wrdreg s7;
	s28 =	sadd.s32 $0x1000, s7;
	v10 =	vsel vm2, $0x7A80, v10;
	v3 =	vsel vm1, $0xB00, v3;
	v4 =	vsel vm1, $0x1B00, v4  }
0x31: {  	s25 =	simm.s32 $0x400;
	s1 =	smax.u32 s26, $0x1;
	[dreg:$0x5] =	wrdreg s28;
	v5 =	vsel vm1, $0x2B00, v5;
	v6 =	vsel vm1, $0x3B00, v6;
	v7 =	vsel vm1, $0x4B00, v7  }
0x32: {  	s26 =	simm.s32 $0x20000;
	s7 =	simm.s32 $0x0;
	[dreg:$0x6] =	wrdreg s1;
	v8 =	vsel vm1, $0x5B00, v8;
	v9 =	vsel vm1, $0x6B00, v9;
	v10 =	vsel vm1, $0x7B00, v10  }
.LBB2_11:
0x33: {  	s1 =	simm.s32 $0x5  }
0x34: {  	_ =	swait.ge [sflag:s1], $0x2000  }
0x35: {  	[sflag:s1] =	ssyncset.done $0x0  }
0x36: {  	s3 =	simm.s32 $0x6;
	[sflag:s1] =	ssyncadd.s32 $0xFFFFE000  }
0x37: {  	_ =	swait.ge [sflag:s3], $0x2000  }
0x38: {  	s7 =	rddreg [dreg:$0x7]  }
0x39: {  	s28 =	rddreg [dreg:$0x6];
	s7 =	sadd.s32 $0x1, s7  }
0x3a: {  	p0 =	sne.s32 s7, s28  }
.Ltmp1:
0x3b: {  	_ = 	snop;
	(pc) =	sbr.rel @!p0 .LBB2_12-.Ltmp1, $3  }
0x3c: {  	_ =	sdelay $0x1  }
0x3d: {  	[sflag:s3] =	ssyncset.done $0x0  }
0x3e: {  	[sflag:s3] =	ssyncadd.s32 $0xFFFFE000  }
.LBB2_1:
0x3f: {  	[dreg:$0x7] =	wrdreg s7  }
0x40: {  	s1 =	rddreg [dreg:$0x4]  }
0x41: {  	[tilespmem:s4], [sflag:$0x1] =	stream.linear.gather [hbm4b:s1+s4], $0x80, $0x38;
	[tilespmem:$0x14200] =	vst v63  }
0x42: {  	s7 =	rddreg [dreg:$0x5];
	s3 =	simm.s32 $0x80  }
0x43: {  	[tilespmem:s3], [sflag:$0x2] =	stream.linear.gather [hbm4b:s7+s4], $0x80, $0x38;
	[tilespmem:$0x14200] =	vst v63  }
0x44: {  	_ =	swait.ge [sflag:s12], $0x80  }
0x45: {  	[sflag:s12] =	ssyncset.done $0x0  }
0x46: {  	[sflag:s12] =	ssyncadd.s32 $0xFFFFFF80  }
0x47: {  	v11 =	vld [tilespmem:$0x0]  }
0x48: {  	v12 =	vld [tilespmem:$0x10]  }
0x49: {  	v13 =	vld [tilespmem:$0x20]  }
0x4a: {  	v14 =	vld [tilespmem:$0x30];
	_ =	sdelay $0x1  }
0x4b: {  	v15 =	vld [tilespmem:$0x40]  }
0x4c: {  	v16 =	vld [tilespmem:$0x50];
	v12 =	vshra.s32 v12, $0x1  }
0x4d: {  	v49 =	vld [tilespmem:$0x60];
	v11 =	vshra.s32 v11, $0x1;
	v48 =	vshra.s32 v13, $0x1;
	[tilespmem:$0x110] =	vst v12  }
0x4e: {  	v51 =	vld [tilespmem:$0x70];
	v50 =	vshra.s32 v14, $0x1;
	[tilespmem:$0x120] =	vst v48;
	v17 =	vperm.xlane v11, v0  }
0x4f: {  	[tilespmem:$0x130] =	vst v50  }
0x50: {  	v52 =	vshra.s32 v15, $0x1;
	[tilespmem:$0x100] =	vst v11;
	v11 =	vperm.xlane v11, v2;
	v53 =	vadd.s32 v1, v17  }
0x51: {  	v54 =	vshra.s32 v16, $0x1;
	[tilespmem:$0x140] =	vst v52  }
0x52: {  	v55 =	vshra.s32 v49, $0x1;
	[tilespmem:$0x150] =	vst v54;
	v11 =	vadd.s32 v1, v11  }
0x53: {  	v56 =	vshra.s32 v51, $0x1;
	[tilespmem:$0x160] =	vst v55  }
0x54: {  	[tilespmem:$0x170] =	vst v56  }
0x55: {  	[tilespmem:s13], [sflag:$0x3] =	stream.indirect_vreg.gather [hbm4b:s8+s4], $0x80, v53, vm0, $0xb8;
	[tilespmem:$0x14200] =	vst v63  }
0x56: {  	s9 =	simm.s32 $0xA00  }
0x57: {  	[tilespmem:s9], [sflag:$0x3] =	stream.indirect_vreg.gather [hbm4b:s8+s4], $0x80, v11, vm0, $0xb8;
	[tilespmem:$0x14200] =	vst v63  }
0x58: {  	v11 =	vld [tilespmem:$0x110];
	_ =	sdelay $0x4  }
0x59: {  	v57 =	vperm.xlane v11, v0;
	_ =	sdelay $0x1  }
0x5a: {  	v11 =	vperm.xlane v11, v2;
	v12 =	vadd.s32 v1, v57;
	_ =	sdelay $0x1  }
0x5b: {  	v11 =	vadd.s32 v1, v11;
	_ =	sdelay $0x1  }
0x5c: {  	s10 =	simm.s32 $0x1200  }
0x5d: {  	[tilespmem:s10], [sflag:$0x3] =	stream.indirect_vreg.gather [hbm4b:s8+s4], $0x80, v12, vm0, $0xb8;
	[tilespmem:$0x14200] =	vst v63  }
0x5e: {  	s11 =	simm.s32 $0x1A00  }
0x5f: {  	[tilespmem:s11], [sflag:$0x3] =	stream.indirect_vreg.gather [hbm4b:s8+s4], $0x80, v11, vm0, $0xb8;
	[tilespmem:$0x14200] =	vst v63  }
0x60: {  	v11 =	vld [tilespmem:$0x120];
	_ =	sdelay $0x4  }
0x61: {  	v58 =	vperm.xlane v11, v0;
	_ =	sdelay $0x1  }
0x62: {  	v11 =	vperm.xlane v11, v2;
	v12 =	vadd.s32 v1, v58;
	_ =	sdelay $0x1  }
0x63: {  	v11 =	vadd.s32 v1, v11;
	_ =	sdelay $0x1  }
0x64: {  	s14 =	simm.s32 $0x2200  }
0x65: {  	[tilespmem:s14], [sflag:$0x3] =	stream.indirect_vreg.gather [hbm4b:s8+s4], $0x80, v12, vm0, $0xb8;
	[tilespmem:$0x14200] =	vst v63  }
0x66: {  	s15 =	simm.s32 $0x2A00  }
0x67: {  	[tilespmem:s15], [sflag:$0x3] =	stream.indirect_vreg.gather [hbm4b:s8+s4], $0x80, v11, vm0, $0xb8;
	[tilespmem:$0x14200] =	vst v63  }
0x68: {  	v11 =	vld [tilespmem:$0x130];
	_ =	sdelay $0x4  }
0x69: {  	v59 =	vperm.xlane v11, v0;
	_ =	sdelay $0x1  }
0x6a: {  	v11 =	vperm.xlane v11, v2;
	v12 =	vadd.s32 v1, v59;
	_ =	sdelay $0x1  }
0x6b: {  	v11 =	vadd.s32 v1, v11;
	_ =	sdelay $0x1  }
0x6c: {  	s16 =	simm.s32 $0x3200  }
0x6d: {  	[tilespmem:s16], [sflag:$0x3] =	stream.indirect_vreg.gather [hbm4b:s8+s4], $0x80, v12, vm0, $0xb8;
	[tilespmem:$0x14200] =	vst v63  }
0x6e: {  	s17 =	simm.s32 $0x3A00  }
0x6f: {  	[tilespmem:s17], [sflag:$0x3] =	stream.indirect_vreg.gather [hbm4b:s8+s4], $0x80, v11, vm0, $0xb8;
	[tilespmem:$0x14200] =	vst v63  }
0x70: {  	v11 =	vld [tilespmem:$0x140];
	_ =	sdelay $0x4  }
0x71: {  	v60 =	vperm.xlane v11, v0;
	_ =	sdelay $0x1  }
0x72: {  	v11 =	vperm.xlane v11, v2;
	v12 =	vadd.s32 v1, v60;
	_ =	sdelay $0x1  }
0x73: {  	v11 =	vadd.s32 v1, v11;
	_ =	sdelay $0x1  }
0x74: {  	s18 =	simm.s32 $0x4200  }
0x75: {  	[tilespmem:s18], [sflag:$0x3] =	stream.indirect_vreg.gather [hbm4b:s8+s4], $0x80, v12, vm0, $0xb8;
	[tilespmem:$0x14200] =	vst v63  }
0x76: {  	s19 =	simm.s32 $0x4A00  }
0x77: {  	[tilespmem:s19], [sflag:$0x3] =	stream.indirect_vreg.gather [hbm4b:s8+s4], $0x80, v11, vm0, $0xb8;
	[tilespmem:$0x14200] =	vst v63  }
0x78: {  	v11 =	vld [tilespmem:$0x150];
	_ =	sdelay $0x4  }
0x79: {  	v61 =	vperm.xlane v11, v0;
	_ =	sdelay $0x1  }
0x7a: {  	v11 =	vperm.xlane v11, v2;
	v12 =	vadd.s32 v1, v61;
	_ =	sdelay $0x1  }
0x7b: {  	v11 =	vadd.s32 v1, v11;
	_ =	sdelay $0x1  }
0x7c: {  	s20 =	simm.s32 $0x5200  }
0x7d: {  	[tilespmem:s20], [sflag:$0x3] =	stream.indirect_vreg.gather [hbm4b:s8+s4], $0x80, v12, vm0, $0xb8;
	[tilespmem:$0x14200] =	vst v63  }
0x7e: {  	s21 =	simm.s32 $0x5A00  }
0x7f: {  	[tilespmem:s21], [sflag:$0x3] =	stream.indirect_vreg.gather [hbm4b:s8+s4], $0x80, v11, vm0, $0xb8;
	[tilespmem:$0x14200] =	vst v63  }
0x80: {  	v11 =	vld [tilespmem:$0x160];
	_ =	sdelay $0x4  }
0x81: {  	v62 =	vperm.xlane v11, v0;
	_ =	sdelay $0x1  }
0x82: {  	v11 =	vperm.xlane v11, v2;
	v12 =	vadd.s32 v1, v62;
	_ =	sdelay $0x1  }
0x83: {  	v11 =	vadd.s32 v1, v11;
	_ =	sdelay $0x1  }
0x84: {  	s22 =	simm.s32 $0x6200  }
0x85: {  	[tilespmem:s22], [sflag:$0x3] =	stream.indirect_vreg.gather [hbm4b:s8+s4], $0x80, v12, vm0, $0xb8;
	[tilespmem:$0x14200] =	vst v63  }
0x86: {  	s23 =	simm.s32 $0x6A00  }
0x87: {  	[tilespmem:s23], [sflag:$0x3] =	stream.indirect_vreg.gather [hbm4b:s8+s4], $0x80, v11, vm0, $0xb8;
	[tilespmem:$0x14200] =	vst v63  }
0x88: {  	v11 =	vld [tilespmem:$0x170];
	_ =	sdelay $0x4  }
0x89: {  	v63 =	vperm.xlane v11, v0;
	_ =	sdelay $0x1  }
0x8a: {  	v11 =	vperm.xlane v11, v2;
	v12 =	vadd.s32 v1, v63;
	_ =	sdelay $0x1  }
0x8b: {  	v11 =	vadd.s32 v1, v11;
	_ =	sdelay $0x1  }
0x8c: {  	s24 =	simm.s32 $0x7200  }
0x8d: {  	[tilespmem:s24], [sflag:$0x3] =	stream.indirect_vreg.gather [hbm4b:s8+s4], $0x80, v12, vm0, $0xb8;
	[tilespmem:$0x14200] =	vst v63  }
0x8e: {  	s28 =	simm.s32 $0x7A00;
	s11 =	simm.s32 $0x0  }
0x8f: {  	[tilespmem:s28], [sflag:$0x3] =	stream.indirect_vreg.gather [hbm4b:s8+s4], $0x80, v11, vm0, $0xb8;
	[tilespmem:$0x14200] =	vst v63  }
.LBB2_2:
0x90: {  	_ =	swait.ge [sflag:s30], $0x4000  }
0x91: {  	[sflag:s30] =	ssyncset.done $0x0  }
0x92: {  	[sflag:s30] =	ssyncadd.s32 $0xFFFFC000  }
0x93: {  	_ =	swait.ge [sflag:s31], $0x80  }
0x94: {  	[sflag:s31] =	ssyncset.done $0x0  }
0x95: {  	[sflag:s31] =	ssyncadd.s32 $0xFFFFFF80  }
0x96: {  	v11 =	vld [tilespmem:$0x80]  }
0x97: {  	v12 =	vld [tilespmem:$0x90]  }
0x98: {  	v13 =	vld [tilespmem:$0xA0]  }
0x99: {  	v14 =	vld [tilespmem:$0xB0]  }
0x9a: {  	v15 =	vld [tilespmem:$0xC0]  }
0x9b: {  	v16 =	vld [tilespmem:$0xD0];
	v11 =	vshra.s32 v11, $0x1  }
0x9c: {  	v17 =	vld [tilespmem:$0xE0];
	v12 =	vshra.s32 v12, $0x1;
	[tilespmem:$0x180] =	vst v11  }
0x9d: {  	[tilespmem:$0x190] =	vst v12;
	v12 =	vshra.s32 v13, $0x1;
	v13 =	vld [tilespmem:$0xF0];
	v18 =	vperm.xlane v11, v0  }
0x9e: {  	[tilespmem:$0x1A0] =	vst v12;
	v12 =	vshra.s32 v14, $0x1  }
0x9f: {  	v11 =	vperm.xlane v11, v2;
	[tilespmem:$0x1B0] =	vst v12;
	v12 =	vshra.s32 v15, $0x1;
	v14 =	vadd.s32 v1, v18  }
0xa0: {  	[tilespmem:$0x1C0] =	vst v12;
	v12 =	vshra.s32 v16, $0x1  }
0xa1: {  	v11 =	vadd.s32 v1, v11;
	[tilespmem:$0x1D0] =	vst v12;
	v12 =	vshra.s32 v17, $0x1  }
0xa2: {  	[tilespmem:$0x1E0] =	vst v12;
	v12 =	vshra.s32 v13, $0x1  }
0xa3: {  	[tilespmem:$0x1F0] =	vst v12  }
0xa4: {  	[tilespmem:s2], [sflag:$0x4] =	stream.indirect_vreg.gather [hbm4b:s8+s4], $0x80, v14, vm0, $0xb8;
	[tilespmem:$0x14200] =	vst v63  }
0xa5: {  	s1 =	simm.s32 $0x8A00  }
0xa6: {  	[tilespmem:s1], [sflag:$0x4] =	stream.indirect_vreg.gather [hbm4b:s8+s4], $0x80, v11, vm0, $0xb8;
	[tilespmem:$0x14200] =	vst v63  }
0xa7: {  	v11 =	vld [tilespmem:$0x190];
	_ =	sdelay $0x4  }
0xa8: {  	v12 =	vperm.xlane v11, v0;
	_ =	sdelay $0x1  }
0xa9: {  	v11 =	vperm.xlane v11, v2;
	v12 =	vadd.s32 v1, v12;
	_ =	sdelay $0x1  }
0xaa: {  	v11 =	vadd.s32 v1, v11;
	_ =	sdelay $0x1  }
0xab: {  	s7 =	simm.s32 $0x9200  }
0xac: {  	[tilespmem:s7], [sflag:$0x4] =	stream.indirect_vreg.gather [hbm4b:s8+s4], $0x80, v12, vm0, $0xb8;
	[tilespmem:$0x14200] =	vst v63  }
0xad: {  	s9 =	simm.s32 $0x9A00  }
0xae: {  	[tilespmem:s9], [sflag:$0x4] =	stream.indirect_vreg.gather [hbm4b:s8+s4], $0x80, v11, vm0, $0xb8;
	[tilespmem:$0x14200] =	vst v63  }
0xaf: {  	v11 =	vld [tilespmem:$0x1A0];
	_ =	sdelay $0x4  }
0xb0: {  	v12 =	vperm.xlane v11, v0;
	_ =	sdelay $0x1  }
0xb1: {  	v11 =	vperm.xlane v11, v2;
	v12 =	vadd.s32 v1, v12;
	_ =	sdelay $0x1  }
0xb2: {  	v11 =	vadd.s32 v1, v11;
	_ =	sdelay $0x1  }
0xb3: {  	s10 =	simm.s32 $0xA200  }
0xb4: {  	[tilespmem:s10], [sflag:$0x4] =	stream.indirect_vreg.gather [hbm4b:s8+s4], $0x80, v12, vm0, $0xb8;
	[tilespmem:$0x14200] =	vst v63  }
0xb5: {  	s14 =	simm.s32 $0xAA00  }
0xb6: {  	[tilespmem:s14], [sflag:$0x4] =	stream.indirect_vreg.gather [hbm4b:s8+s4], $0x80, v11, vm0, $0xb8;
	[tilespmem:$0x14200] =	vst v63  }
0xb7: {  	v11 =	vld [tilespmem:$0x1B0];
	_ =	sdelay $0x4  }
0xb8: {  	v12 =	vperm.xlane v11, v0;
	_ =	sdelay $0x1  }
0xb9: {  	v11 =	vperm.xlane v11, v2;
	v12 =	vadd.s32 v1, v12;
	_ =	sdelay $0x1  }
0xba: {  	v11 =	vadd.s32 v1, v11;
	_ =	sdelay $0x1  }
0xbb: {  	s15 =	simm.s32 $0xB200  }
0xbc: {  	[tilespmem:s15], [sflag:$0x4] =	stream.indirect_vreg.gather [hbm4b:s8+s4], $0x80, v12, vm0, $0xb8;
	[tilespmem:$0x14200] =	vst v63  }
0xbd: {  	s16 =	simm.s32 $0xBA00  }
0xbe: {  	[tilespmem:s16], [sflag:$0x4] =	stream.indirect_vreg.gather [hbm4b:s8+s4], $0x80, v11, vm0, $0xb8;
	[tilespmem:$0x14200] =	vst v63  }
0xbf: {  	v11 =	vld [tilespmem:$0x1C0];
	_ =	sdelay $0x4  }
0xc0: {  	v12 =	vperm.xlane v11, v0;
	_ =	sdelay $0x1  }
0xc1: {  	v11 =	vperm.xlane v11, v2;
	v12 =	vadd.s32 v1, v12;
	_ =	sdelay $0x1  }
0xc2: {  	v11 =	vadd.s32 v1, v11;
	_ =	sdelay $0x1  }
0xc3: {  	s17 =	simm.s32 $0xC200  }
0xc4: {  	[tilespmem:s17], [sflag:$0x4] =	stream.indirect_vreg.gather [hbm4b:s8+s4], $0x80, v12, vm0, $0xb8;
	[tilespmem:$0x14200] =	vst v63  }
0xc5: {  	s18 =	simm.s32 $0xCA00  }
0xc6: {  	[tilespmem:s18], [sflag:$0x4] =	stream.indirect_vreg.gather [hbm4b:s8+s4], $0x80, v11, vm0, $0xb8;
	[tilespmem:$0x14200] =	vst v63  }
0xc7: {  	v11 =	vld [tilespmem:$0x1D0];
	_ =	sdelay $0x4  }
0xc8: {  	v12 =	vperm.xlane v11, v0;
	_ =	sdelay $0x1  }
0xc9: {  	v11 =	vperm.xlane v11, v2;
	v12 =	vadd.s32 v1, v12;
	_ =	sdelay $0x1  }
0xca: {  	v11 =	vadd.s32 v1, v11;
	_ =	sdelay $0x1  }
0xcb: {  	s19 =	simm.s32 $0xD200  }
0xcc: {  	[tilespmem:s19], [sflag:$0x4] =	stream.indirect_vreg.gather [hbm4b:s8+s4], $0x80, v12, vm0, $0xb8;
	[tilespmem:$0x14200] =	vst v63  }
0xcd: {  	s20 =	simm.s32 $0xDA00  }
0xce: {  	[tilespmem:s20], [sflag:$0x4] =	stream.indirect_vreg.gather [hbm4b:s8+s4], $0x80, v11, vm0, $0xb8;
	[tilespmem:$0x14200] =	vst v63  }
0xcf: {  	v11 =	vld [tilespmem:$0x1E0];
	_ =	sdelay $0x4  }
0xd0: {  	v12 =	vperm.xlane v11, v0;
	_ =	sdelay $0x1  }
0xd1: {  	v11 =	vperm.xlane v11, v2;
	v12 =	vadd.s32 v1, v12;
	_ =	sdelay $0x1  }
0xd2: {  	v11 =	vadd.s32 v1, v11;
	_ =	sdelay $0x1  }
0xd3: {  	s21 =	simm.s32 $0xE200  }
0xd4: {  	[tilespmem:s21], [sflag:$0x4] =	stream.indirect_vreg.gather [hbm4b:s8+s4], $0x80, v12, vm0, $0xb8;
	[tilespmem:$0x14200] =	vst v63  }
0xd5: {  	s22 =	simm.s32 $0xEA00  }
0xd6: {  	[tilespmem:s22], [sflag:$0x4] =	stream.indirect_vreg.gather [hbm4b:s8+s4], $0x80, v11, vm0, $0xb8;
	[tilespmem:$0x14200] =	vst v63  }
0xd7: {  	v11 =	vld [tilespmem:$0x1F0];
	_ =	sdelay $0x4  }
0xd8: {  	v12 =	vperm.xlane v11, v0;
	_ =	sdelay $0x1  }
0xd9: {  	v11 =	vperm.xlane v11, v2;
	v12 =	vadd.s32 v1, v12;
	_ =	sdelay $0x1  }
0xda: {  	v11 =	vadd.s32 v1, v11;
	_ =	sdelay $0x1  }
0xdb: {  	s23 =	simm.s32 $0xF200  }
0xdc: {  	[tilespmem:s23], [sflag:$0x4] =	stream.indirect_vreg.gather [hbm4b:s8+s4], $0x80, v12, vm0, $0xb8;
	[tilespmem:$0x14200] =	vst v63  }
0xdd: {  	s24 =	simm.s32 $0xFA00  }
0xde: {  	[tilespmem:s24], [sflag:$0x4] =	stream.indirect_vreg.gather [hbm4b:s8+s4], $0x80, v11, vm0, $0xb8;
	[tilespmem:$0x14200] =	vst v63  }
0xdf: {  	v11 =	vld [tilespmem:$0x0];
	_ =	sdelay $0x3  }
0xe0: {  	v12 =	vld [tilespmem:$0x10]  }
0xe1: {  	v13 =	vld [tilespmem:$0x20];
	v11 =	vshll.u32 v11, $0x6  }
0xe2: {  	v14 =	vld [tilespmem:$0x30];
	v11 =	vand.u32 $0x40, v11  }
0xe3: {  	s28 =	simm.s32 $0x1;
	v15 =	vld [tilespmem:$0x40];
	v16 =	vor.u32 v3, v11  }
0xe4: {  	p0 =	seq.s32 s11, $0x0;
	v19 =	vld [tilespmem:$0x50];
	v11 =	vor.u32 s28, v16  }
0xe5: {  	s3 =	simm.s32 @!p0 $0x5;
	v20 =	vld [tilespmem:$0x60]  }
0xe6: {  	v21 =	vld [tilespmem:$0x70];
	_ =	swait.ge @!p0 [sflag:s3], $0x2000  }
0xe7: {  	[sflag:s3] =	ssyncset.done @!p0 $0x0;
	v12 =	vshll.u32 v12, $0x6  }
0xe8: {  	[sflag:s3] =	ssyncadd.s32 @!p0 $0xFFFFE000;
	v12 =	vand.u32 $0x40, v12  }
0xe9: {  	v18 =	vor.u32 v4, v12;
	v11 =	vld.idx.msk [tilespmem:v11+s13+$0x0], $0xffff  }
0xea: {  	s21 =	simm.s32 $0x0;
	v12 =	vor.u32 s28, v18  }
0xeb: {  	v22 =	vor.u32 s21, v16;
	_ =	sdelay $0x1  }
0xec: {  	s16 =	simm.s32 $0x10280;
	v13 =	vshll.u32 v13, $0x6  }
0xed: {  	v13 =	vand.u32 $0x40, v13;
	[tilespmem:s16+$0x0] =	vst v11  }
0xee: {  	v17 =	vor.u32 v5, v13;
	v11 =	vld.idx.msk [tilespmem:v12+s13+$0x0], $0xffff  }
0xef: {  	v13 =	vor.u32 s28, v17;
	v12 =	vld.idx.msk [tilespmem:v22+s13+$0x0], $0xffff  }
0xf0: {  	s18 =	simm.s32 $0x3;
	v22 =	vor.u32 s21, v18  }
0xf1: {  	v23 =	vor.u32 s18, v16  }
0xf2: {  	v14 =	vshll.u32 v14, $0x6  }
0xf3: {  	s10 =	simm.s32 $0x2;
	v14 =	vand.u32 $0x40, v14;
	[tilespmem:s16+$0x10] =	vst v11  }
0xf4: {  	v14 =	vor.u32 v6, v14;
	v11 =	vor.u32 s10, v16;
	[tilespmem:s16+$0xFFFFFF80] =	vst v12;
	v12 =	vld.idx.msk [tilespmem:v13+s13+$0x0], $0xffff  }
0xf5: {  	v13 =	vld.idx.msk [tilespmem:v22+s13+$0x0], $0xffff;
	v22 =	vor.u32 s28, v14  }
0xf6: {  	v24 =	vor.u32 s21, v17;
	v23 =	vld.idx.msk [tilespmem:v23+s13+$0x0], $0xffff  }
0xf7: {  	v25 =	vor.u32 s18, v18  }
0xf8: {  	v15 =	vshll.u32 v15, $0x6  }
0xf9: {  	v15 =	vand.u32 $0x40, v15;
	v26 =	vld.idx.msk [tilespmem:v11+s13+$0x0], $0xffff;
	[tilespmem:s16+$0x20] =	vst v12  }
0xfa: {  	s9 =	simm.s32 $0x10380;
	v11 =	vor.u32 v7, v15;
	[tilespmem:s16+$0xFFFFFF90] =	vst v13;
	v12 =	vor.u32 s10, v18;
	v13 =	vld.idx.msk [tilespmem:v22+s13+$0x0], $0xffff  }
0xfb: {  	[tilespmem:s9+$0x0] =	vst v23;
	v15 =	vld.idx.msk [tilespmem:v24+s13+$0x0], $0xffff;
	v22 =	vor.u32 s28, v11  }
0xfc: {  	v23 =	vor.u32 s21, v14;
	v24 =	vld.idx.msk [tilespmem:v25+s13+$0x0], $0xffff  }
0xfd: {  	s14 =	simm.s32 $0x5;
	v25 =	vor.u32 s18, v17  }
0xfe: {  	s7 =	simm.s32 $0x4;
	v19 =	vshll.u32 v19, $0x6;
	[tilespmem:s9+$0xFFFFFF80] =	vst v26;
	v26 =	vor.u32 s14, v16  }
0xff: {  	v19 =	vand.u32 $0x40, v19;
	v27 =	vor.u32 s7, v16;
	v28 =	vld.idx.msk [tilespmem:v12+s13+$0x0], $0xffff;
	[tilespmem:s16+$0x30] =	vst v13  }
0x100: {  	v12 =	vor.u32 v8, v19;
	[tilespmem:s16+$0xFFFFFFA0] =	vst v15;
	v15 =	vor.u32 s10, v17;
	v13 =	vld.idx.msk [tilespmem:v22+s13+$0x0], $0xffff  }
0x101: {  	[tilespmem:s9+$0x10] =	vst v24;
	v19 =	vld.idx.msk [tilespmem:v23+s13+$0x0], $0xffff;
	v22 =	vor.u32 s28, v12  }
0x102: {  	v24 =	vor.u32 s21, v11;
	v23 =	vld.idx.msk [tilespmem:v25+s13+$0x0], $0xffff  }
0x103: {  	v25 =	vld.idx.msk [tilespmem:v26+s13+$0x0], $0xffff;
	v26 =	vor.u32 s18, v14  }
0x104: {  	s17 =	simm.s32 $0x6;
	v20 =	vshll.u32 v20, $0x6;
	v27 =	vld.idx.msk [tilespmem:v27+s13+$0x0], $0xffff;
	[tilespmem:s9+$0xFFFFFF90] =	vst v28;
	v28 =	vor.u32 s14, v18  }
0x105: {  	v20 =	vand.u32 $0x40, v20;
	v29 =	vld.idx.msk [tilespmem:v15+s13+$0x0], $0xffff;
	v15 =	vor.u32 s17, v16;
	[tilespmem:s16+$0x40] =	vst v13  }
0x106: {  	v13 =	vor.u32 v9, v20;
	[tilespmem:s16+$0xFFFFFFB0] =	vst v19;
	v20 =	vor.u32 s7, v18;
	v19 =	vld.idx.msk [tilespmem:v22+s13+$0x0], $0xffff  }
0x107: {  	s15 =	simm.s32 $0x10480;
	[tilespmem:s9+$0x20] =	vst v23;
	v22 =	vld.idx.msk [tilespmem:v24+s13+$0x0], $0xffff;
	v23 =	vor.u32 s28, v13  }
0x108: {  	v24 =	vld.idx.msk [tilespmem:v26+s13+$0x0], $0xffff;
	[tilespmem:s15+$0x0] =	vst v25;
	v25 =	vor.u32 s10, v14  }
0x109: {  	[tilespmem:s15+$0xFFFFFF80] =	vst v27;
	v26 =	vld.idx.msk [tilespmem:v28+s13+$0x0], $0xffff;
	v28 =	vor.u32 s18, v11  }
0x10a: {  	v21 =	vshll.u32 v21, $0x6;
	v27 =	vor.u32 s21, v12;
	v30 =	vld.idx.msk [tilespmem:v15+s13+$0x0], $0xffff;
	[tilespmem:s9+$0xFFFFFFA0] =	vst v29  }
0x10b: {  	v15 =	vand.u32 $0x40, v21;
	v21 =	vor.u32 s14, v17;
	v20 =	vld.idx.msk [tilespmem:v20+s13+$0x0], $0xffff;
	[tilespmem:s16+$0x50] =	vst v19  }
0x10c: {  	s19 =	simm.s32 $0x7;
	[tilespmem:s16+$0xFFFFFFC0] =	vst v22;
	v22 =	vor.u32 s7, v17;
	v19 =	vld.idx.msk [tilespmem:v23+s13+$0x0], $0xffff  }
0x10d: {  	v15 =	vor.u32 v10, v15;
	v23 =	vor.u32 s19, v16;
	v25 =	vld.idx.msk [tilespmem:v25+s13+$0x0], $0xffff;
	[tilespmem:s9+$0x30] =	vst v24  }
0x10e: {  	v24 =	vor.u32 s28, v15;
	v28 =	vld.idx.msk [tilespmem:v28+s13+$0x0], $0xffff  }
0x10f: {  	[tilespmem:s15+$0x10] =	vst v26;
	v26 =	vld.idx.msk [tilespmem:v27+s13+$0x0], $0xffff;
	v27 =	vor.u32 s18, v12  }
0x110: {  	v29 =	vor.u32 s10, v11;
	v21 =	vld.idx.msk [tilespmem:v21+s13+$0x0], $0xffff;
	[tilespmem:s15+$0xFFFFFF90] =	vst v20  }
0x111: {  	v31 =	vor.u32 s14, v14;
	v33 =	vld.idx.msk [tilespmem:v22+s13+$0x0], $0xffff  }
0x112: {  	v23 =	vld.idx.msk [tilespmem:v23+s13+$0x0], $0xffff;
	[tilespmem:s16+$0x60] =	vst v19;
	v19 =	vor.u32 s21, v13  }
0x113: {  	s20 =	simm.s32 $0x8;
	v32 =	vor.u32 s19, v18;
	v24 =	vld.idx.msk [tilespmem:v24+s13+$0x0], $0xffff;
	[tilespmem:s9+$0x40] =	vst v28  }
0x114: {  	[tilespmem:s9+$0xFFFFFFB0] =	vst v25;
	v28 =	vor.u32 s20, v16;
	v27 =	vld.idx.msk [tilespmem:v27+s13+$0x0], $0xffff  }
0x115: {  	v34 =	vor.u32 s17, v18;
	[tilespmem:s15+$0x20] =	vst v21;
	v21 =	vld.idx.msk [tilespmem:v29+s13+$0x0], $0xffff  }
0x116: {  	s22 =	simm.s32 $0x10580;
	[tilespmem:s16+$0xFFFFFFD0] =	vst v26;
	v22 =	vld.idx.msk [tilespmem:v31+s13+$0x0], $0xffff;
	v31 =	vor.u32 s18, v13  }
0x117: {  	v29 =	vor.u32 s7, v14;
	[tilespmem:s22+$0x0] =	vst v23;
	v20 =	vld.idx.msk [tilespmem:v19+s13+$0x0], $0xffff  }
0x118: {  	[tilespmem:s22+$0xFFFFFF80] =	vst v30;
	v30 =	vor.u32 s14, v11;
	v25 =	vld.idx.msk [tilespmem:v32+s13+$0x0], $0xffff  }
0x119: {  	v26 =	vor.u32 s10, v12;
	[tilespmem:s16+$0x70] =	vst v24;
	v19 =	vld.idx.msk [tilespmem:v28+s13+$0x0], $0xffff  }
0x11a: {  	s1 =	sshll.u32 s11, $0x6;
	v23 =	vor.u32 s19, v17;
	v24 =	vld.idx.msk [tilespmem:v34+s13+$0x0], $0xffff;
	[tilespmem:s9+$0x50] =	vst v27  }
0x11b: {  	s23 =	simm.s32 $0x9;
	s24 =	simm.s32 $0xA;
	[tilespmem:s15+$0xFFFFFFA0] =	vst v33;
	v27 =	vor.u32 s21, v15;
	s21 =	simm.s32 $0x10580;
	v28 =	vld.idx.msk [tilespmem:v31+s13+$0x0], $0xffff  }
.LBB2_3:
0x11c: {  	p1 =	slt.u32 s24, $0x3E;
	v31 =	vor.u32 s23, v16;
	v29 =	vld.idx.msk [tilespmem:v29+s13+$0x0], $0xffff;
	[tilespmem:s15+$0x30] =	vst v22;
	s28 =	smov.u32 s7;
	s7 =	smov.u32 s17  }
0x11d: {  	v22 =	vld.idx.msk [tilespmem:v30+s13+$0x0], $0xffff;
	[tilespmem:s9+$0xFFFFFFC0] =	vst v21;
	v21 =	vor.u32 s18, v15;
	s18 =	smov.u32 s14;
	s14 =	smov.u32 s19;
	s19 =	smov.u32 s23  }
0x11e: {  	s17 =	smov.u32 s20;
	s20 =	smov.u32 s24;
	v30 =	vor.u32 s7, v17;
	[tilespmem:s22+$0x10] =	vst v25;
	v25 =	vld.idx.msk [tilespmem:v26+s13+$0x0], $0xffff  }
0x11f: {  	v26 =	vor.u32 s18, v12;
	v23 =	vld.idx.msk [tilespmem:v23+s13+$0x0], $0xffff;
	[tilespmem:s16+$0xFFFFFFE0] =	vst v20  }
0x120: {  	v20 =	vor.u32 s28, v11;
	[tilespmem:s22+$0xFFFFFF90] =	vst v24;
	v24 =	vld.idx.msk [tilespmem:v27+s13+$0x0], $0xffff  }
0x121: {  	v27 =	vld.idx.msk [tilespmem:v31+s13+$0x0], $0xffff;
	v31 =	vor.u32 s14, v14;
	[tilespmem:s9+$0x60] =	vst v28  }
0x122: {  	v28 =	vor.u32 s10, v13;
	[tilespmem:s15+$0xFFFFFFB0] =	vst v29;
	v32 =	vld.idx.msk [tilespmem:v21+s13+$0x0], $0xffff  }
0x123: {  	v33 =	vor.u32 s19, v18;
	v34 =	vld.idx.msk [tilespmem:v30+s13+$0x0], $0xffff;
	[tilespmem:s15+$0x40] =	vst v22  }
0x124: {  	v35 =	vor.u32 s24, v16;
	v36 =	vld.idx.msk [tilespmem:v26+s13+$0x0], $0xffff;
	[tilespmem:s9+$0xFFFFFFD0] =	vst v25  }
0x125: {  	v37 =	vor.u32 s17, v18;
	[tilespmem:s22+$0x20] =	vst v23;
	v21 =	vld.idx.msk [tilespmem:v20+s13+$0x0], $0xffff  }
0x126: {  	s22 =	sadd.s32 $0x100, s22;
	v22 =	vld.idx.msk [tilespmem:v31+s13+$0x0], $0xffff;
	v31 =	vor.u32 s18, v13;
	[tilespmem:s16+$0xFFFFFFF0] =	vst v24;
	s16 =	smov.u32 s9;
	s9 =	smov.u32 s15  }
.Ltmp2:
0x127: {  	v29 =	vor.u32 s7, v14;
	s15 =	smov.u32 s21;
	s21 =	smov.u32 s22;
	[tilespmem:s22+$0x0] =	vst v27;
	v20 =	vld.idx.msk [tilespmem:v28+s13+$0x0], $0xffff;
	(pc) =	sbr.rel @p1 .LBB2_3-.Ltmp2, $4  }
0x128: {  	v30 =	vor.u32 s14, v11;
	v25 =	vld.idx.msk [tilespmem:v33+s13+$0x0], $0xffff;
	[tilespmem:s16+$0x70] =	vst v32  }
0x129: {  	v26 =	vor.u32 s28, v12;
	[tilespmem:s22+$0xFFFFFF80] =	vst v19;
	v19 =	vld.idx.msk [tilespmem:v35+s13+$0x0], $0xffff  }
0x12a: {  	v23 =	vor.u32 s19, v17;
	v24 =	vld.idx.msk [tilespmem:v37+s13+$0x0], $0xffff;
	[tilespmem:s9+$0x50] =	vst v36  }
0x12b: {  	s24 =	sadd.s32 $0x2, s24;
	s23 =	sadd.s32 $0x1, s20;
	v27 =	vor.u32 s10, v15;
	s10 =	smov.u32 s28;
	[tilespmem:s15+$0xFFFFFFA0] =	vst v34;
	v28 =	vld.idx.msk [tilespmem:v31+s13+$0x0], $0xffff  }
0x12c: {  	v16 =	vor.u32 s23, v16;
	_ =	sdelay $0x4  }
0x12d: {  	[tilespmem:s15+$0x30] =	vst v22;
	v59 =	vor.u32 s20, v18;
	v16 =	vld.idx.msk [tilespmem:v16+s13+$0x0], $0xffff  }
0x12e: {  	v58 =	vor.u32 s23, v18;
	[tilespmem:s9+$0xFFFFFFC0] =	vst v21  }
0x12f: {  	[tilespmem:s16+$0xFFFFFFE0] =	vst v20  }
0x130: {  	v60 =	vld.idx.msk [tilespmem:v29+s13+$0x0], $0xffff;
	s24 =	sadd.s32 $0x100, s22;
	[tilespmem:s22+$0x10] =	vst v25  }
0x131: {  	v61 =	vld.idx.msk [tilespmem:v30+s13+$0x0], $0xffff;
	[tilespmem:s24+$0xFFFFFF80] =	vst v19  }
0x132: {  	v62 =	vor.u32 s17, v17;
	v18 =	vld.idx.msk [tilespmem:v59+s13+$0x0], $0xffff;
	[tilespmem:s24+$0x0] =	vst v16  }
0x133: {  	v30 =	vor.u32 s20, v17;
	[tilespmem:s22+$0xFFFFFF90] =	vst v24;
	v22 =	vld.idx.msk [tilespmem:v58+s13+$0x0], $0xffff  }
0x134: {  	v63 =	vor.u32 s23, v17;
	v29 =	vld.idx.msk [tilespmem:v26+s13+$0x0], $0xffff;
	[tilespmem:s9+$0x60] =	vst v28  }
0x135: {  	v31 =	vor.u32 s18, v15;
	v33 =	vld.idx.msk [tilespmem:v27+s13+$0x0], $0xffff;
	[tilespmem:s15+$0xFFFFFFB0] =	vst v60  }
0x136: {  	v32 =	vor.u32 s14, v12;
	v23 =	vld.idx.msk [tilespmem:v23+s13+$0x0], $0xffff;
	[tilespmem:s15+$0x40] =	vst v61  }
0x137: {  	v34 =	vor.u32 s19, v14;
	v16 =	vld.idx.msk [tilespmem:v62+s13+$0x0], $0xffff;
	[tilespmem:s24+$0xFFFFFF90] =	vst v18  }
0x138: {  	v35 =	vor.u32 s17, v14;
	v17 =	vld.idx.msk [tilespmem:v30+s13+$0x0], $0xffff;
	[tilespmem:s24+$0x10] =	vst v22  }
0x139: {  	v38 =	vor.u32 s20, v14;
	[tilespmem:s9+$0xFFFFFFD0] =	vst v29;
	v19 =	vld.idx.msk [tilespmem:v63+s13+$0x0], $0xffff  }
0x13a: {  	v36 =	vor.u32 s23, v14;
	v37 =	vld.idx.msk [tilespmem:v31+s13+$0x0], $0xffff;
	[tilespmem:s16+$0xFFFFFFF0] =	vst v33  }
0x13b: {  	v39 =	vor.u32 s7, v11;
	[tilespmem:s22+$0x20] =	vst v23;
	v21 =	vld.idx.msk [tilespmem:v32+s13+$0x0], $0xffff  }
0x13c: {  	v40 =	vor.u32 s10, v13;
	v20 =	vld.idx.msk [tilespmem:v34+s13+$0x0], $0xffff;
	[tilespmem:s21+$0xFFFFFFA0] =	vst v16  }
0x13d: {  	v41 =	vor.u32 s19, v11;
	v22 =	vld.idx.msk [tilespmem:v35+s13+$0x0], $0xffff;
	[tilespmem:s24+$0xFFFFFFA0] =	vst v17  }
0x13e: {  	v42 =	vor.u32 s17, v11;
	v14 =	vld.idx.msk [tilespmem:v38+s13+$0x0], $0xffff;
	[tilespmem:s24+$0x20] =	vst v19  }
0x13f: {  	v43 =	vor.u32 s23, v11;
	v11 =	vor.u32 s20, v11;
	[tilespmem:s9+$0x70] =	vst v37;
	v18 =	vld.idx.msk [tilespmem:v36+s13+$0x0], $0xffff  }
0x140: {  	v23 =	vld.idx.msk [tilespmem:v39+s13+$0x0], $0xffff;
	[tilespmem:s15+$0x50] =	vst v21  }
0x141: {  	v44 =	vor.u32 s14, v13;
	v45 =	vld.idx.msk [tilespmem:v40+s13+$0x0], $0xffff;
	[tilespmem:s21+$0x30] =	vst v20  }
0x142: {  	v46 =	vor.u32 s7, v12;
	v16 =	vld.idx.msk [tilespmem:v41+s13+$0x0], $0xffff;
	[tilespmem:s21+$0xFFFFFFB0] =	vst v22  }
0x143: {  	v47 =	vor.u32 s19, v12;
	v19 =	vld.idx.msk [tilespmem:v42+s13+$0x0], $0xffff;
	[tilespmem:s24+$0xFFFFFFB0] =	vst v14  }
0x144: {  	v48 =	vor.u32 s17, v12;
	v11 =	vld.idx.msk [tilespmem:v11+s13+$0x0], $0xffff;
	[tilespmem:s24+$0x30] =	vst v18  }
0x145: {  	v50 =	vor.u32 s20, v12;
	[tilespmem:s15+$0xFFFFFFC0] =	vst v23;
	v17 =	vld.idx.msk [tilespmem:v43+s13+$0x0], $0xffff  }
0x146: {  	v49 =	vor.u32 s23, v12;
	[tilespmem:s9+$0xFFFFFFE0] =	vst v45;
	v21 =	vld.idx.msk [tilespmem:v44+s13+$0x0], $0xffff  }
0x147: {  	v51 =	vor.u32 s10, v15;
	v20 =	vld.idx.msk [tilespmem:v46+s13+$0x0], $0xffff;
	[tilespmem:s21+$0x40] =	vst v16  }
0x148: {  	v52 =	vor.u32 s7, v13;
	v22 =	vld.idx.msk [tilespmem:v47+s13+$0x0], $0xffff;
	[tilespmem:s21+$0xFFFFFFC0] =	vst v19  }
0x149: {  	v53 =	vor.u32 s19, v13;
	v18 =	vld.idx.msk [tilespmem:v48+s13+$0x0], $0xffff;
	[tilespmem:s24+$0xFFFFFFC0] =	vst v11  }
0x14a: {  	v54 =	vor.u32 s17, v13;
	v12 =	vld.idx.msk [tilespmem:v50+s13+$0x0], $0xffff;
	[tilespmem:s24+$0x40] =	vst v17  }
0x14b: {  	v56 =	vor.u32 s20, v13;
	[tilespmem:s15+$0x60] =	vst v21;
	v14 =	vld.idx.msk [tilespmem:v49+s13+$0x0], $0xffff  }
0x14c: {  	v55 =	vld.idx.msk [tilespmem:v51+s13+$0x0], $0xffff;
	[tilespmem:s15+$0xFFFFFFD0] =	vst v20;
	v11 =	vor.u32 s23, v13  }
0x14d: {  	v57 =	vor.u32 s14, v15;
	v16 =	vld.idx.msk [tilespmem:v52+s13+$0x0], $0xffff;
	[tilespmem:s21+$0x50] =	vst v22  }
0x14e: {  	v58 =	vor.u32 s7, v15;
	v19 =	vld.idx.msk [tilespmem:v53+s13+$0x0], $0xffff;
	[tilespmem:s21+$0xFFFFFFD0] =	vst v18  }
0x14f: {  	v59 =	vor.u32 s19, v15;
	v17 =	vld.idx.msk [tilespmem:v54+s13+$0x0], $0xffff;
	[tilespmem:s24+$0xFFFFFFD0] =	vst v12  }
0x150: {  	v60 =	vor.u32 s17, v15;
	v13 =	vld.idx.msk [tilespmem:v56+s13+$0x0], $0xffff;
	[tilespmem:s24+$0x50] =	vst v14  }
0x151: {  	v62 =	vor.u32 s20, v15;
	[tilespmem:s9+$0xFFFFFFF0] =	vst v55;
	v11 =	vld.idx.msk [tilespmem:v11+s13+$0x0], $0xffff  }
0x152: {  	v61 =	vor.u32 s23, v15;
	v20 =	vld.idx.msk [tilespmem:v57+s13+$0x0], $0xffff;
	[tilespmem:s15+$0xFFFFFFE0] =	vst v16  }
0x153: {  	v16 =	vld.idx.msk [tilespmem:v58+s13+$0x0], $0xffff;
	[tilespmem:s21+$0x60] =	vst v19  }
0x154: {  	v18 =	vld.idx.msk [tilespmem:v59+s13+$0x0], $0xffff;
	[tilespmem:s21+$0xFFFFFFE0] =	vst v17  }
0x155: {  	v14 =	vld.idx.msk [tilespmem:v60+s13+$0x0], $0xffff;
	[tilespmem:s24+$0xFFFFFFE0] =	vst v13  }
0x156: {  	v63 =	vld.idx.msk [tilespmem:v62+s13+$0x0], $0xffff;
	[tilespmem:s24+$0x60] =	vst v11  }
0x157: {  	[tilespmem:s15+$0x70] =	vst v20;
	v11 =	vld.idx.msk [tilespmem:v61+s13+$0x0], $0xffff  }
0x158: {  	p1 =	seq.s32 s11, $0x33;
	[tilespmem:s15+$0xFFFFFFF0] =	vst v16  }
.Ltmp3:
0x159: {  	s3 =	sshll.u32 s11, $0x10;
	s22 =	sshll.u32 s11, $0xD;
	[tilespmem:s21+$0x70] =	vst v18;
	(pc) =	sbr.rel @!p1 .LBB2_5-.Ltmp3, $4  }
0x15a: {  	s3 =	sand.u32 $0x3E0000, s3;
	s7 =	sand.u32 $0x2000, s22;
	s23 =	rddreg [dreg:$0x2];
	[tilespmem:s21+$0xFFFFFFF0] =	vst v14  }
0x15b: {  	s7 =	sor.u32 s6, s7;
	s3 =	sadd.s32 s23, s3;
	[tilespmem:s24+$0xFFFFFFF0] =	vst v63  }
0x15c: {  	s28 =	simm.s32 $0x10200;
	s9 =	sadd.s32 s7, s3;
	[tilespmem:s24+$0x70] =	vst v11  }
0x15d: {  	[hbm4b:s9+s25] =	stream.strided.scatter [tilespmem:s28], [sflag:$0x5], $0x2000, s26, s25, $0x38;
	[tilespmem:$0x14200] =	vst v63  }
.Ltmp4:
0x15e: {  	(pc) =	sbr.rel .LBB2_7-.Ltmp4, $4  }
0x15f: {  	_ = 	snop  }
0x160: {  	_ =	swait.ge [sflag:s29], $0x4000  }
0x161: {  	[sflag:s29] =	ssyncset.done $0x0  }
0x162: {  	[sflag:s29] =	ssyncadd.s32 $0xFFFFC000  }
.LBB2_5:
0x163: {  	s3 =	sadd.s32 $0x40, s1  }
0x164: {  	s7 =	sand.u32 $0x40, s3  }
0x165: {  	s10 =	sshll.u32 s3, $0x7;
	s7 =	sor.u32 s5, s7  }
0x166: {  	s10 =	sand.u32 $0xE0000, s10;
	s7 =	sshll.u32 s7, $0xA  }
0x167: {  	s3 =	sand.u32 $0x380, s3;
	s7 =	sor.u32 s10, s7  }
0x168: {  	s3 =	sor.u32 s3, s7  }
0x169: {  	s3 =	sshrl.u32 s3, $0x3  }
0x16a: {  	s3 =	sadd.s32 s0, s3  }
0x16b: {  	[tilespmem:s4], [sflag:$0x1] =	stream.linear.gather [hbm4b:s3+s4], $0x80, $0x38;
	[tilespmem:$0x14200] =	vst v63  }
0x16c: {  	_ =	swait.ge [sflag:s29], $0x4000  }
0x16d: {  	[sflag:s29] =	ssyncset.done $0x0  }
0x16e: {  	[sflag:s29] =	ssyncadd.s32 $0xFFFFC000  }
0x16f: {  	_ =	swait.ge [sflag:s12], $0x80  }
0x170: {  	[sflag:s12] =	ssyncset.done $0x0  }
0x171: {  	[sflag:s12] =	ssyncadd.s32 $0xFFFFFF80  }
0x172: {  	v11 =	vld [tilespmem:$0x0]  }
0x173: {  	v12 =	vld [tilespmem:$0x10]  }
0x174: {  	v13 =	vld [tilespmem:$0x20]  }
0x175: {  	v14 =	vld [tilespmem:$0x30];
	_ =	sdelay $0x1  }
0x176: {  	v15 =	vld [tilespmem:$0x40]  }
0x177: {  	v16 =	vld [tilespmem:$0x50];
	v12 =	vshra.s32 v12, $0x1  }
0x178: {  	v49 =	vld [tilespmem:$0x60];
	v11 =	vshra.s32 v11, $0x1;
	v48 =	vshra.s32 v13, $0x1;
	[tilespmem:$0x110] =	vst v12  }
0x179: {  	v51 =	vld [tilespmem:$0x70];
	v50 =	vshra.s32 v14, $0x1;
	[tilespmem:$0x120] =	vst v48;
	v17 =	vperm.xlane v11, v0  }
0x17a: {  	[tilespmem:$0x130] =	vst v50  }
0x17b: {  	v52 =	vshra.s32 v15, $0x1;
	[tilespmem:$0x100] =	vst v11;
	v11 =	vperm.xlane v11, v2;
	v53 =	vadd.s32 v1, v17  }
0x17c: {  	v54 =	vshra.s32 v16, $0x1;
	[tilespmem:$0x140] =	vst v52  }
0x17d: {  	v55 =	vshra.s32 v49, $0x1;
	[tilespmem:$0x150] =	vst v54;
	v11 =	vadd.s32 v1, v11  }
0x17e: {  	v56 =	vshra.s32 v51, $0x1;
	[tilespmem:$0x160] =	vst v55  }
0x17f: {  	[tilespmem:$0x170] =	vst v56  }
0x180: {  	[tilespmem:s13], [sflag:$0x3] =	stream.indirect_vreg.gather [hbm4b:s8+s4], $0x80, v53, vm0, $0xb8;
	[tilespmem:$0x14200] =	vst v63  }
0x181: {  	s28 =	simm.s32 $0xA00  }
0x182: {  	[tilespmem:s28], [sflag:$0x3] =	stream.indirect_vreg.gather [hbm4b:s8+s4], $0x80, v11, vm0, $0xb8;
	[tilespmem:$0x14200] =	vst v63  }
0x183: {  	v11 =	vld [tilespmem:$0x110];
	_ =	sdelay $0x4  }
0x184: {  	v57 =	vperm.xlane v11, v0;
	_ =	sdelay $0x1  }
0x185: {  	v11 =	vperm.xlane v11, v2;
	v12 =	vadd.s32 v1, v57;
	_ =	sdelay $0x1  }
0x186: {  	v11 =	vadd.s32 v1, v11;
	_ =	sdelay $0x1  }
0x187: {  	s7 =	simm.s32 $0x1200  }
0x188: {  	[tilespmem:s7], [sflag:$0x3] =	stream.indirect_vreg.gather [hbm4b:s8+s4], $0x80, v12, vm0, $0xb8;
	[tilespmem:$0x14200] =	vst v63  }
0x189: {  	s10 =	simm.s32 $0x1A00  }
0x18a: {  	[tilespmem:s10], [sflag:$0x3] =	stream.indirect_vreg.gather [hbm4b:s8+s4], $0x80, v11, vm0, $0xb8;
	[tilespmem:$0x14200] =	vst v63  }
0x18b: {  	v11 =	vld [tilespmem:$0x120];
	_ =	sdelay $0x4  }
0x18c: {  	v58 =	vperm.xlane v11, v0;
	_ =	sdelay $0x1  }
0x18d: {  	v11 =	vperm.xlane v11, v2;
	v12 =	vadd.s32 v1, v58;
	_ =	sdelay $0x1  }
0x18e: {  	v11 =	vadd.s32 v1, v11;
	_ =	sdelay $0x1  }
0x18f: {  	s14 =	simm.s32 $0x2200  }
0x190: {  	[tilespmem:s14], [sflag:$0x3] =	stream.indirect_vreg.gather [hbm4b:s8+s4], $0x80, v12, vm0, $0xb8;
	[tilespmem:$0x14200] =	vst v63  }
0x191: {  	s15 =	simm.s32 $0x2A00  }
0x192: {  	[tilespmem:s15], [sflag:$0x3] =	stream.indirect_vreg.gather [hbm4b:s8+s4], $0x80, v11, vm0, $0xb8;
	[tilespmem:$0x14200] =	vst v63  }
0x193: {  	v11 =	vld [tilespmem:$0x130];
	_ =	sdelay $0x4  }
0x194: {  	v59 =	vperm.xlane v11, v0;
	_ =	sdelay $0x1  }
0x195: {  	v11 =	vperm.xlane v11, v2;
	v12 =	vadd.s32 v1, v59;
	_ =	sdelay $0x1  }
0x196: {  	v11 =	vadd.s32 v1, v11;
	_ =	sdelay $0x1  }
0x197: {  	s16 =	simm.s32 $0x3200  }
0x198: {  	[tilespmem:s16], [sflag:$0x3] =	stream.indirect_vreg.gather [hbm4b:s8+s4], $0x80, v12, vm0, $0xb8;
	[tilespmem:$0x14200] =	vst v63  }
0x199: {  	s17 =	simm.s32 $0x3A00  }
0x19a: {  	[tilespmem:s17], [sflag:$0x3] =	stream.indirect_vreg.gather [hbm4b:s8+s4], $0x80, v11, vm0, $0xb8;
	[tilespmem:$0x14200] =	vst v63  }
0x19b: {  	v11 =	vld [tilespmem:$0x140];
	_ =	sdelay $0x4  }
0x19c: {  	v60 =	vperm.xlane v11, v0;
	_ =	sdelay $0x1  }
0x19d: {  	v11 =	vperm.xlane v11, v2;
	v12 =	vadd.s32 v1, v60;
	_ =	sdelay $0x1  }
0x19e: {  	v11 =	vadd.s32 v1, v11;
	_ =	sdelay $0x1  }
0x19f: {  	s18 =	simm.s32 $0x4200  }
0x1a0: {  	[tilespmem:s18], [sflag:$0x3] =	stream.indirect_vreg.gather [hbm4b:s8+s4], $0x80, v12, vm0, $0xb8;
	[tilespmem:$0x14200] =	vst v63  }
0x1a1: {  	s19 =	simm.s32 $0x4A00  }
0x1a2: {  	[tilespmem:s19], [sflag:$0x3] =	stream.indirect_vreg.gather [hbm4b:s8+s4], $0x80, v11, vm0, $0xb8;
	[tilespmem:$0x14200] =	vst v63  }
0x1a3: {  	v11 =	vld [tilespmem:$0x150];
	_ =	sdelay $0x4  }
0x1a4: {  	v61 =	vperm.xlane v11, v0;
	_ =	sdelay $0x1  }
0x1a5: {  	v11 =	vperm.xlane v11, v2;
	v12 =	vadd.s32 v1, v61;
	_ =	sdelay $0x1  }
0x1a6: {  	v11 =	vadd.s32 v1, v11;
	_ =	sdelay $0x1  }
0x1a7: {  	s20 =	simm.s32 $0x5200  }
0x1a8: {  	[tilespmem:s20], [sflag:$0x3] =	stream.indirect_vreg.gather [hbm4b:s8+s4], $0x80, v12, vm0, $0xb8;
	[tilespmem:$0x14200] =	vst v63  }
0x1a9: {  	s21 =	simm.s32 $0x5A00  }
0x1aa: {  	[tilespmem:s21], [sflag:$0x3] =	stream.indirect_vreg.gather [hbm4b:s8+s4], $0x80, v11, vm0, $0xb8;
	[tilespmem:$0x14200] =	vst v63  }
0x1ab: {  	v11 =	vld [tilespmem:$0x160];
	_ =	sdelay $0x4  }
0x1ac: {  	v62 =	vperm.xlane v11, v0;
	_ =	sdelay $0x1  }
0x1ad: {  	v11 =	vperm.xlane v11, v2;
	v12 =	vadd.s32 v1, v62;
	_ =	sdelay $0x1  }
0x1ae: {  	v11 =	vadd.s32 v1, v11;
	_ =	sdelay $0x1  }
0x1af: {  	s22 =	simm.s32 $0x6200  }
0x1b0: {  	[tilespmem:s22], [sflag:$0x3] =	stream.indirect_vreg.gather [hbm4b:s8+s4], $0x80, v12, vm0, $0xb8;
	[tilespmem:$0x14200] =	vst v63  }
0x1b1: {  	s23 =	simm.s32 $0x6A00  }
0x1b2: {  	[tilespmem:s23], [sflag:$0x3] =	stream.indirect_vreg.gather [hbm4b:s8+s4], $0x80, v11, vm0, $0xb8;
	[tilespmem:$0x14200] =	vst v63  }
0x1b3: {  	v11 =	vld [tilespmem:$0x170];
	_ =	sdelay $0x4  }
0x1b4: {  	v63 =	vperm.xlane v11, v0;
	_ =	sdelay $0x1  }
0x1b5: {  	v11 =	vperm.xlane v11, v2;
	v12 =	vadd.s32 v1, v63;
	_ =	sdelay $0x1  }
0x1b6: {  	v11 =	vadd.s32 v1, v11;
	_ =	sdelay $0x1  }
0x1b7: {  	s24 =	simm.s32 $0x7200  }
0x1b8: {  	[tilespmem:s24], [sflag:$0x3] =	stream.indirect_vreg.gather [hbm4b:s8+s4], $0x80, v12, vm0, $0xb8;
	[tilespmem:$0x14200] =	vst v63  }
0x1b9: {  	s28 =	simm.s32 $0x7A00  }
0x1ba: {  	[tilespmem:s28], [sflag:$0x3] =	stream.indirect_vreg.gather [hbm4b:s8+s4], $0x80, v11, vm0, $0xb8;
	[tilespmem:$0x14200] =	vst v63  }
.LBB2_7:
0x1bb: {  	v11 =	vld [tilespmem:$0x80];
	_ =	sdelay $0x3  }
0x1bc: {  	v12 =	vld [tilespmem:$0x90]  }
0x1bd: {  	v13 =	vld [tilespmem:$0xA0];
	v11 =	vshll.u32 v11, $0x6  }
0x1be: {  	v14 =	vld [tilespmem:$0xB0];
	v11 =	vand.u32 $0x40, v11  }
0x1bf: {  	v15 =	vld [tilespmem:$0xC0];
	s21 =	simm.s32 $0x1;
	v16 =	vor.u32 v3, v11  }
0x1c0: {  	v19 =	vld [tilespmem:$0xD0];
	v11 =	vor.u32 s21, v16  }
0x1c1: {  	v20 =	vld [tilespmem:$0xE0];
	s3 =	simm.s32 @!p0 $0x6  }
0x1c2: {  	v21 =	vld [tilespmem:$0xF0];
	_ =	swait.ge @!p0 [sflag:s3], $0x2000  }
0x1c3: {  	[sflag:s3] =	ssyncset.done @!p0 $0x0;
	v12 =	vshll.u32 v12, $0x6  }
0x1c4: {  	[sflag:s3] =	ssyncadd.s32 @!p0 $0xFFFFE000;
	v12 =	vand.u32 $0x40, v12  }
0x1c5: {  	v18 =	vor.u32 v4, v12;
	v11 =	vld.idx.msk [tilespmem:v11+s2+$0x0], $0xffff  }
0x1c6: {  	s22 =	simm.s32 $0x0;
	v12 =	vor.u32 s21, v18  }
0x1c7: {  	v22 =	vor.u32 s22, v16;
	_ =	sdelay $0x1  }
0x1c8: {  	s17 =	simm.s32 $0x12280;
	v13 =	vshll.u32 v13, $0x6  }
0x1c9: {  	v13 =	vand.u32 $0x40, v13;
	[tilespmem:s17+$0x0] =	vst v11  }
0x1ca: {  	v17 =	vor.u32 v5, v13;
	v11 =	vld.idx.msk [tilespmem:v12+s2+$0x0], $0xffff  }
0x1cb: {  	v13 =	vor.u32 s21, v17;
	v12 =	vld.idx.msk [tilespmem:v22+s2+$0x0], $0xffff  }
0x1cc: {  	s19 =	simm.s32 $0x3;
	v22 =	vor.u32 s22, v18  }
0x1cd: {  	v23 =	vor.u32 s19, v16  }
0x1ce: {  	v14 =	vshll.u32 v14, $0x6  }
0x1cf: {  	s7 =	simm.s32 $0x2;
	v14 =	vand.u32 $0x40, v14;
	[tilespmem:s17+$0x10] =	vst v11  }
0x1d0: {  	v14 =	vor.u32 v6, v14;
	v11 =	vor.u32 s7, v16;
	[tilespmem:s17+$0xFFFFFF80] =	vst v12;
	v12 =	vld.idx.msk [tilespmem:v13+s2+$0x0], $0xffff  }
0x1d1: {  	v13 =	vld.idx.msk [tilespmem:v22+s2+$0x0], $0xffff;
	v22 =	vor.u32 s21, v14  }
0x1d2: {  	v24 =	vor.u32 s22, v17;
	v23 =	vld.idx.msk [tilespmem:v23+s2+$0x0], $0xffff  }
0x1d3: {  	v25 =	vor.u32 s19, v18  }
0x1d4: {  	v15 =	vshll.u32 v15, $0x6  }
0x1d5: {  	v15 =	vand.u32 $0x40, v15;
	v26 =	vld.idx.msk [tilespmem:v11+s2+$0x0], $0xffff;
	[tilespmem:s17+$0x20] =	vst v12  }
0x1d6: {  	s10 =	simm.s32 $0x12380;
	v11 =	vor.u32 v7, v15;
	[tilespmem:s17+$0xFFFFFF90] =	vst v13;
	v12 =	vor.u32 s7, v18;
	v13 =	vld.idx.msk [tilespmem:v22+s2+$0x0], $0xffff  }
0x1d7: {  	[tilespmem:s10+$0x0] =	vst v23;
	v15 =	vld.idx.msk [tilespmem:v24+s2+$0x0], $0xffff;
	v22 =	vor.u32 s21, v11  }
0x1d8: {  	v23 =	vor.u32 s22, v14;
	v24 =	vld.idx.msk [tilespmem:v25+s2+$0x0], $0xffff  }
0x1d9: {  	s15 =	simm.s32 $0x5;
	v25 =	vor.u32 s19, v17  }
0x1da: {  	s14 =	simm.s32 $0x4;
	v19 =	vshll.u32 v19, $0x6;
	[tilespmem:s10+$0xFFFFFF80] =	vst v26;
	v26 =	vor.u32 s15, v16  }
0x1db: {  	v19 =	vand.u32 $0x40, v19;
	v27 =	vor.u32 s14, v16;
	v28 =	vld.idx.msk [tilespmem:v12+s2+$0x0], $0xffff;
	[tilespmem:s17+$0x30] =	vst v13  }
0x1dc: {  	v12 =	vor.u32 v8, v19;
	[tilespmem:s17+$0xFFFFFFA0] =	vst v15;
	v15 =	vor.u32 s7, v17;
	v13 =	vld.idx.msk [tilespmem:v22+s2+$0x0], $0xffff  }
0x1dd: {  	[tilespmem:s10+$0x10] =	vst v24;
	v19 =	vld.idx.msk [tilespmem:v23+s2+$0x0], $0xffff;
	v22 =	vor.u32 s21, v12  }
0x1de: {  	v24 =	vor.u32 s22, v11;
	v23 =	vld.idx.msk [tilespmem:v25+s2+$0x0], $0xffff  }
0x1df: {  	v25 =	vld.idx.msk [tilespmem:v26+s2+$0x0], $0xffff;
	v26 =	vor.u32 s19, v14  }
0x1e0: {  	s18 =	simm.s32 $0x6;
	v20 =	vshll.u32 v20, $0x6;
	v27 =	vld.idx.msk [tilespmem:v27+s2+$0x0], $0xffff;
	[tilespmem:s10+$0xFFFFFF90] =	vst v28;
	v28 =	vor.u32 s15, v18  }
0x1e1: {  	v20 =	vand.u32 $0x40, v20;
	v29 =	vld.idx.msk [tilespmem:v15+s2+$0x0], $0xffff;
	v15 =	vor.u32 s18, v16;
	[tilespmem:s17+$0x40] =	vst v13  }
0x1e2: {  	v13 =	vor.u32 v9, v20;
	[tilespmem:s17+$0xFFFFFFB0] =	vst v19;
	v20 =	vor.u32 s14, v18;
	v19 =	vld.idx.msk [tilespmem:v22+s2+$0x0], $0xffff  }
0x1e3: {  	s16 =	simm.s32 $0x12480;
	[tilespmem:s10+$0x20] =	vst v23;
	v22 =	vld.idx.msk [tilespmem:v24+s2+$0x0], $0xffff;
	v23 =	vor.u32 s21, v13  }
0x1e4: {  	v24 =	vld.idx.msk [tilespmem:v26+s2+$0x0], $0xffff;
	[tilespmem:s16+$0x0] =	vst v25;
	v25 =	vor.u32 s7, v14  }
0x1e5: {  	[tilespmem:s16+$0xFFFFFF80] =	vst v27;
	v26 =	vld.idx.msk [tilespmem:v28+s2+$0x0], $0xffff;
	v28 =	vor.u32 s19, v11  }
0x1e6: {  	v21 =	vshll.u32 v21, $0x6;
	v27 =	vor.u32 s22, v12;
	v30 =	vld.idx.msk [tilespmem:v15+s2+$0x0], $0xffff;
	[tilespmem:s10+$0xFFFFFFA0] =	vst v29  }
0x1e7: {  	v15 =	vand.u32 $0x40, v21;
	v21 =	vor.u32 s15, v17;
	v20 =	vld.idx.msk [tilespmem:v20+s2+$0x0], $0xffff;
	[tilespmem:s17+$0x50] =	vst v19  }
0x1e8: {  	s20 =	simm.s32 $0x7;
	[tilespmem:s17+$0xFFFFFFC0] =	vst v22;
	v22 =	vor.u32 s14, v17;
	v19 =	vld.idx.msk [tilespmem:v23+s2+$0x0], $0xffff  }
0x1e9: {  	v15 =	vor.u32 v10, v15;
	v23 =	vor.u32 s20, v16;
	v25 =	vld.idx.msk [tilespmem:v25+s2+$0x0], $0xffff;
	[tilespmem:s10+$0x30] =	vst v24  }
0x1ea: {  	v24 =	vor.u32 s21, v15;
	v28 =	vld.idx.msk [tilespmem:v28+s2+$0x0], $0xffff  }
0x1eb: {  	[tilespmem:s16+$0x10] =	vst v26;
	v26 =	vld.idx.msk [tilespmem:v27+s2+$0x0], $0xffff;
	v27 =	vor.u32 s19, v12  }
0x1ec: {  	v29 =	vor.u32 s7, v11;
	v21 =	vld.idx.msk [tilespmem:v21+s2+$0x0], $0xffff;
	[tilespmem:s16+$0xFFFFFF90] =	vst v20  }
0x1ed: {  	v31 =	vor.u32 s15, v14;
	v34 =	vld.idx.msk [tilespmem:v22+s2+$0x0], $0xffff  }
0x1ee: {  	s21 =	simm.s32 $0x8;
	v23 =	vld.idx.msk [tilespmem:v23+s2+$0x0], $0xffff;
	[tilespmem:s17+$0x60] =	vst v19;
	v19 =	vor.u32 s22, v13  }
0x1ef: {  	v22 =	vor.u32 s21, v16;
	v32 =	vld.idx.msk [tilespmem:v24+s2+$0x0], $0xffff;
	[tilespmem:s10+$0x40] =	vst v28  }
0x1f0: {  	v33 =	vor.u32 s20, v18;
	[tilespmem:s10+$0xFFFFFFB0] =	vst v25;
	v27 =	vld.idx.msk [tilespmem:v27+s2+$0x0], $0xffff  }
0x1f1: {  	v28 =	vor.u32 s18, v18;
	[tilespmem:s16+$0x20] =	vst v21;
	v21 =	vld.idx.msk [tilespmem:v29+s2+$0x0], $0xffff  }
0x1f2: {  	s23 =	simm.s32 $0x12580;
	[tilespmem:s17+$0xFFFFFFD0] =	vst v26;
	v24 =	vld.idx.msk [tilespmem:v31+s2+$0x0], $0xffff;
	v31 =	vor.u32 s19, v13  }
0x1f3: {  	[tilespmem:s23+$0xFFFFFF80] =	vst v30;
	v29 =	vor.u32 s14, v14;
	v20 =	vld.idx.msk [tilespmem:v19+s2+$0x0], $0xffff  }
0x1f4: {  	v30 =	vor.u32 s15, v11;
	[tilespmem:s23+$0x0] =	vst v23;
	v19 =	vld.idx.msk [tilespmem:v22+s2+$0x0], $0xffff  }
0x1f5: {  	v25 =	vor.u32 s7, v12;
	[tilespmem:s16+$0xFFFFFFA0] =	vst v34;
	v26 =	vld.idx.msk [tilespmem:v33+s2+$0x0], $0xffff  }
0x1f6: {  	v22 =	vor.u32 s20, v17;
	v23 =	vld.idx.msk [tilespmem:v28+s2+$0x0], $0xffff;
	[tilespmem:s10+$0x50] =	vst v27  }
0x1f7: {  	s24 =	simm.s32 $0x9;
	s28 =	simm.s32 $0xA;
	[tilespmem:s17+$0x70] =	vst v32;
	v27 =	vor.u32 s22, v15;
	s22 =	simm.s32 $0x12580;
	v28 =	vld.idx.msk [tilespmem:v31+s2+$0x0], $0xffff  }
.LBB2_8:
0x1f8: {  	p0 =	slt.u32 s28, $0x3E;
	v31 =	vor.u32 s24, v16;
	v29 =	vld.idx.msk [tilespmem:v29+s2+$0x0], $0xffff;
	[tilespmem:s16+$0x30] =	vst v24;
	s3 =	smov.u32 s14;
	s14 =	smov.u32 s18  }
0x1f9: {  	v24 =	vld.idx.msk [tilespmem:v30+s2+$0x0], $0xffff;
	[tilespmem:s10+$0xFFFFFFC0] =	vst v21;
	v21 =	vor.u32 s19, v15;
	s19 =	smov.u32 s15;
	s15 =	smov.u32 s20;
	s20 =	smov.u32 s24  }
0x1fa: {  	s18 =	smov.u32 s21;
	s21 =	smov.u32 s28;
	v30 =	vor.u32 s14, v17;
	[tilespmem:s23+$0x10] =	vst v26;
	v25 =	vld.idx.msk [tilespmem:v25+s2+$0x0], $0xffff  }
0x1fb: {  	v26 =	vor.u32 s19, v12;
	v22 =	vld.idx.msk [tilespmem:v22+s2+$0x0], $0xffff;
	[tilespmem:s17+$0xFFFFFFE0] =	vst v20  }
0x1fc: {  	v20 =	vor.u32 s3, v11;
	[tilespmem:s23+$0xFFFFFF90] =	vst v23;
	v23 =	vld.idx.msk [tilespmem:v27+s2+$0x0], $0xffff  }
0x1fd: {  	v27 =	vld.idx.msk [tilespmem:v31+s2+$0x0], $0xffff;
	v31 =	vor.u32 s15, v14;
	[tilespmem:s10+$0x60] =	vst v28  }
0x1fe: {  	v28 =	vor.u32 s7, v13;
	[tilespmem:s16+$0xFFFFFFB0] =	vst v29;
	v32 =	vld.idx.msk [tilespmem:v21+s2+$0x0], $0xffff  }
0x1ff: {  	v33 =	vor.u32 s20, v18;
	v34 =	vld.idx.msk [tilespmem:v30+s2+$0x0], $0xffff;
	[tilespmem:s16+$0x40] =	vst v24  }
0x200: {  	v35 =	vor.u32 s28, v16;
	v36 =	vld.idx.msk [tilespmem:v26+s2+$0x0], $0xffff;
	[tilespmem:s10+$0xFFFFFFD0] =	vst v25  }
0x201: {  	v37 =	vor.u32 s18, v18;
	[tilespmem:s23+$0x20] =	vst v22;
	v21 =	vld.idx.msk [tilespmem:v20+s2+$0x0], $0xffff  }
0x202: {  	s23 =	sadd.s32 $0x100, s23;
	v24 =	vld.idx.msk [tilespmem:v31+s2+$0x0], $0xffff;
	v31 =	vor.u32 s19, v13;
	[tilespmem:s17+$0xFFFFFFF0] =	vst v23;
	s17 =	smov.u32 s10;
	s10 =	smov.u32 s16  }
.Ltmp5:
0x203: {  	v29 =	vor.u32 s14, v14;
	s16 =	smov.u32 s22;
	s22 =	smov.u32 s23;
	[tilespmem:s23+$0x0] =	vst v27;
	v20 =	vld.idx.msk [tilespmem:v28+s2+$0x0], $0xffff;
	(pc) =	sbr.rel @p0 .LBB2_8-.Ltmp5, $4  }
0x204: {  	v30 =	vor.u32 s15, v11;
	v26 =	vld.idx.msk [tilespmem:v33+s2+$0x0], $0xffff;
	[tilespmem:s17+$0x70] =	vst v32  }
0x205: {  	v25 =	vor.u32 s3, v12;
	[tilespmem:s23+$0xFFFFFF80] =	vst v19;
	v19 =	vld.idx.msk [tilespmem:v35+s2+$0x0], $0xffff  }
0x206: {  	v22 =	vor.u32 s20, v17;
	v23 =	vld.idx.msk [tilespmem:v37+s2+$0x0], $0xffff;
	[tilespmem:s10+$0x50] =	vst v36  }
0x207: {  	s28 =	sadd.s32 $0x2, s28;
	s24 =	sadd.s32 $0x1, s21;
	v27 =	vor.u32 s7, v15;
	s7 =	smov.u32 s3;
	[tilespmem:s16+$0xFFFFFFA0] =	vst v34;
	v28 =	vld.idx.msk [tilespmem:v31+s2+$0x0], $0xffff  }
0x208: {  	v16 =	vor.u32 s24, v16;
	_ =	sdelay $0x4  }
0x209: {  	[tilespmem:s16+$0x30] =	vst v24;
	v58 =	vor.u32 s21, v18;
	v16 =	vld.idx.msk [tilespmem:v16+s2+$0x0], $0xffff  }
0x20a: {  	v57 =	vor.u32 s24, v18;
	[tilespmem:s10+$0xFFFFFFC0] =	vst v21  }
0x20b: {  	[tilespmem:s17+$0xFFFFFFE0] =	vst v20  }
0x20c: {  	v59 =	vld.idx.msk [tilespmem:v29+s2+$0x0], $0xffff;
	s28 =	sadd.s32 $0x100, s23;
	[tilespmem:s23+$0x10] =	vst v26  }
0x20d: {  	v60 =	vld.idx.msk [tilespmem:v30+s2+$0x0], $0xffff;
	[tilespmem:s28+$0xFFFFFF80] =	vst v19  }
0x20e: {  	v61 =	vor.u32 s18, v17;
	v18 =	vld.idx.msk [tilespmem:v58+s2+$0x0], $0xffff;
	[tilespmem:s28+$0x0] =	vst v16  }
0x20f: {  	v29 =	vor.u32 s21, v17;
	[tilespmem:s23+$0xFFFFFF90] =	vst v23;
	v24 =	vld.idx.msk [tilespmem:v57+s2+$0x0], $0xffff  }
0x210: {  	v62 =	vor.u32 s24, v17;
	v63 =	vld.idx.msk [tilespmem:v25+s2+$0x0], $0xffff;
	[tilespmem:s10+$0x60] =	vst v28  }
0x211: {  	v30 =	vor.u32 s19, v15;
	v32 =	vld.idx.msk [tilespmem:v27+s2+$0x0], $0xffff;
	[tilespmem:s16+$0xFFFFFFB0] =	vst v59  }
0x212: {  	v31 =	vor.u32 s15, v12;
	v22 =	vld.idx.msk [tilespmem:v22+s2+$0x0], $0xffff;
	[tilespmem:s16+$0x40] =	vst v60  }
0x213: {  	v33 =	vor.u32 s20, v14;
	v16 =	vld.idx.msk [tilespmem:v61+s2+$0x0], $0xffff;
	[tilespmem:s28+$0xFFFFFF90] =	vst v18  }
0x214: {  	v34 =	vor.u32 s18, v14;
	v17 =	vld.idx.msk [tilespmem:v29+s2+$0x0], $0xffff;
	[tilespmem:s28+$0x10] =	vst v24  }
0x215: {  	v37 =	vor.u32 s21, v14;
	[tilespmem:s10+$0xFFFFFFD0] =	vst v63;
	v19 =	vld.idx.msk [tilespmem:v62+s2+$0x0], $0xffff  }
0x216: {  	v35 =	vor.u32 s24, v14;
	v36 =	vld.idx.msk [tilespmem:v30+s2+$0x0], $0xffff;
	[tilespmem:s17+$0xFFFFFFF0] =	vst v32  }
0x217: {  	v38 =	vor.u32 s14, v11;
	[tilespmem:s23+$0x20] =	vst v22;
	v21 =	vld.idx.msk [tilespmem:v31+s2+$0x0], $0xffff  }
0x218: {  	v39 =	vor.u32 s7, v13;
	v20 =	vld.idx.msk [tilespmem:v33+s2+$0x0], $0xffff;
	[tilespmem:s22+$0xFFFFFFA0] =	vst v16  }
0x219: {  	v40 =	vor.u32 s20, v11;
	v24 =	vld.idx.msk [tilespmem:v34+s2+$0x0], $0xffff;
	[tilespmem:s28+$0xFFFFFFA0] =	vst v17  }
0x21a: {  	v41 =	vor.u32 s18, v11;
	v14 =	vld.idx.msk [tilespmem:v37+s2+$0x0], $0xffff;
	[tilespmem:s28+$0x20] =	vst v19  }
0x21b: {  	v42 =	vor.u32 s24, v11;
	v11 =	vor.u32 s21, v11;
	[tilespmem:s10+$0x70] =	vst v36;
	v18 =	vld.idx.msk [tilespmem:v35+s2+$0x0], $0xffff  }
0x21c: {  	v22 =	vld.idx.msk [tilespmem:v38+s2+$0x0], $0xffff;
	[tilespmem:s16+$0x50] =	vst v21  }
0x21d: {  	v43 =	vor.u32 s15, v13;
	v44 =	vld.idx.msk [tilespmem:v39+s2+$0x0], $0xffff;
	[tilespmem:s22+$0x30] =	vst v20  }
0x21e: {  	v45 =	vor.u32 s14, v12;
	v16 =	vld.idx.msk [tilespmem:v40+s2+$0x0], $0xffff;
	[tilespmem:s22+$0xFFFFFFB0] =	vst v24  }
0x21f: {  	v46 =	vor.u32 s20, v12;
	v19 =	vld.idx.msk [tilespmem:v41+s2+$0x0], $0xffff;
	[tilespmem:s28+$0xFFFFFFB0] =	vst v14  }
0x220: {  	v47 =	vor.u32 s18, v12;
	v11 =	vld.idx.msk [tilespmem:v11+s2+$0x0], $0xffff;
	[tilespmem:s28+$0x30] =	vst v18  }
0x221: {  	v49 =	vor.u32 s21, v12;
	[tilespmem:s16+$0xFFFFFFC0] =	vst v22;
	v17 =	vld.idx.msk [tilespmem:v42+s2+$0x0], $0xffff  }
0x222: {  	v48 =	vor.u32 s24, v12;
	[tilespmem:s10+$0xFFFFFFE0] =	vst v44;
	v21 =	vld.idx.msk [tilespmem:v43+s2+$0x0], $0xffff  }
0x223: {  	v50 =	vor.u32 s7, v15;
	v20 =	vld.idx.msk [tilespmem:v45+s2+$0x0], $0xffff;
	[tilespmem:s22+$0x40] =	vst v16  }
0x224: {  	v51 =	vor.u32 s14, v13;
	v52 =	vld.idx.msk [tilespmem:v46+s2+$0x0], $0xffff;
	[tilespmem:s22+$0xFFFFFFC0] =	vst v19  }
0x225: {  	v53 =	vor.u32 s20, v13;
	v18 =	vld.idx.msk [tilespmem:v47+s2+$0x0], $0xffff;
	[tilespmem:s28+$0xFFFFFFC0] =	vst v11  }
0x226: {  	v54 =	vor.u32 s18, v13;
	v12 =	vld.idx.msk [tilespmem:v49+s2+$0x0], $0xffff;
	[tilespmem:s28+$0x40] =	vst v17  }
0x227: {  	v56 =	vor.u32 s21, v13;
	[tilespmem:s16+$0x60] =	vst v21;
	v14 =	vld.idx.msk [tilespmem:v48+s2+$0x0], $0xffff  }
0x228: {  	v55 =	vld.idx.msk [tilespmem:v50+s2+$0x0], $0xffff;
	[tilespmem:s16+$0xFFFFFFD0] =	vst v20;
	v11 =	vor.u32 s24, v13  }
0x229: {  	v57 =	vor.u32 s15, v15;
	v16 =	vld.idx.msk [tilespmem:v51+s2+$0x0], $0xffff;
	[tilespmem:s22+$0x50] =	vst v52  }
0x22a: {  	v58 =	vor.u32 s14, v15;
	v19 =	vld.idx.msk [tilespmem:v53+s2+$0x0], $0xffff;
	[tilespmem:s22+$0xFFFFFFD0] =	vst v18  }
0x22b: {  	v59 =	vor.u32 s20, v15;
	v17 =	vld.idx.msk [tilespmem:v54+s2+$0x0], $0xffff;
	[tilespmem:s28+$0xFFFFFFD0] =	vst v12  }
0x22c: {  	v60 =	vor.u32 s18, v15;
	v13 =	vld.idx.msk [tilespmem:v56+s2+$0x0], $0xffff;
	[tilespmem:s28+$0x50] =	vst v14  }
0x22d: {  	v62 =	vor.u32 s21, v15;
	[tilespmem:s10+$0xFFFFFFF0] =	vst v55;
	v11 =	vld.idx.msk [tilespmem:v11+s2+$0x0], $0xffff  }
0x22e: {  	v61 =	vor.u32 s24, v15;
	v20 =	vld.idx.msk [tilespmem:v57+s2+$0x0], $0xffff;
	[tilespmem:s16+$0xFFFFFFE0] =	vst v16  }
0x22f: {  	v16 =	vld.idx.msk [tilespmem:v58+s2+$0x0], $0xffff;
	[tilespmem:s22+$0x60] =	vst v19  }
0x230: {  	v18 =	vld.idx.msk [tilespmem:v59+s2+$0x0], $0xffff;
	[tilespmem:s22+$0xFFFFFFE0] =	vst v17  }
0x231: {  	v14 =	vld.idx.msk [tilespmem:v60+s2+$0x0], $0xffff;
	[tilespmem:s28+$0xFFFFFFE0] =	vst v13  }
0x232: {  	v63 =	vld.idx.msk [tilespmem:v62+s2+$0x0], $0xffff;
	[tilespmem:s28+$0x60] =	vst v11  }
0x233: {  	[tilespmem:s16+$0x70] =	vst v20;
	v11 =	vld.idx.msk [tilespmem:v61+s2+$0x0], $0xffff  }
0x234: {  	[tilespmem:s16+$0xFFFFFFF0] =	vst v16  }
.Ltmp6:
0x235: {  	[tilespmem:s22+$0x70] =	vst v18;
	(pc) =	sbr.rel @p1 .LBB2_11-.Ltmp6, $4  }
0x236: {  	[tilespmem:s22+$0xFFFFFFF0] =	vst v14  }
0x237: {  	[tilespmem:s28+$0xFFFFFFF0] =	vst v63  }
0x238: {  	s3 =	sadd.s32 $0x1000, s9;
	[tilespmem:s28+$0x70] =	vst v11;
	s28 =	simm.s32 $0x12200  }
0x239: {  	[hbm4b:s3+s25] =	stream.strided.scatter [tilespmem:s28], [sflag:$0x6], $0x2000, s26, s25, $0x38;
	[tilespmem:$0x14200] =	vst v63  }
0x23a: {  	s1 =	sadd.s32 $0x60, s1  }
0x23b: {  	s3 =	sand.u32 $0x60, s1  }
0x23c: {  	s7 =	sshll.u32 s1, $0x7;
	s3 =	sor.u32 s5, s3  }
0x23d: {  	s7 =	sand.u32 $0xE0000, s7;
	s3 =	sshll.u32 s3, $0xA  }
.Ltmp7:
0x23e: {  	s1 =	sand.u32 $0x380, s1;
	s3 =	sor.u32 s7, s3;
	(pc) =	sbr.rel .LBB2_2-.Ltmp7, $4  }
0x23f: {  	s1 =	sor.u32 s1, s3  }
0x240: {  	s1 =	sshrl.u32 s1, $0x3  }
0x241: {  	s28 =	simm.s32 $0x80;
	s11 =	sadd.s32 $0x1, s11;
	s1 =	sadd.s32 s0, s1  }
0x242: {  	[tilespmem:s28], [sflag:$0x2] =	stream.linear.gather [hbm4b:s1+s4], $0x80, $0x38;
	[tilespmem:$0x14200] =	vst v63  }
.LBB2_12:
0x243: {  	_ =	sfence.sel $0x180000  }
0x244: {  	[bflag:$0x0] =	sbarrier.arrive $0xFFFF  }
0x245: {  	_ =	strace $0x90000047  }
0x246: {  	s0 =	stileid.u32;
	[bflag:$0x2] =	sbarrier.arrive $0xFFFF  }
0x247: {  	p0 =	sne.s32 s0, $0x0;
	s0 =	rddreg [dreg:$0x3]  }
0x248: {  	s0 =	sadd.s32 @!p0 $0x100000, s0  }
0x249: {  	[sflag:s0] =	ssyncadd.tile.s32 @!p0 $0x1;
	_ =	shalt  }
.Lfunc_end2:
_tile_overlayer_lowered:
.L_overlay_start_2:
0x24a: {  	(tag) =	ssettag $0x2  }
0x24b: {  	s0 =	rddreg [dreg:$0x0];
	s2 =	stileid.u32  }
0x24c: {  	s1 =	rddreg [dreg:$0x1];
	p0 =	sne.s32 s2, $0x0  }
0x24d: {  	s3 =	rddreg [dreg:$0x2];
	[bflag:$0x3] =	sbarrier.arrive $0xFFFF;
	s2 =	simm.s32 @!p0 $0x1C07  }
0x24e: {  	[timem:s3], [sflag:s2] =	dma.local @!p0 [hbm:s0], s1  }
0x24f: {  	s0 =	simm.s32 @!p0 $0x7  }
0x250: {  	_ =	swait.ge @!p0 [sflag:s0], s1  }
0x251: {  	s1 =	ssub.s32 @!p0 $0x0, s1;
	[sflag:s0] =	ssyncset.done @!p0 $0x0  }
0x252: {  	[sflag:s0] =	ssyncadd.s32 @!p0 s1  }
0x253: {  	[bflag:$0x3] =	sbarrier.arrive $0xFFFF  }
0x254: {  	_ =	shalt  }

</sc_bundles>
